<compile_context>
chip_gen: v7x
topology: tpu7x:2x2x1
jax: 0.10.2.dev20260603
libtpu: 0.0.44.dev20260713+nightly
codegen_flags: <defaults>
</compile_context>

<pallas_src>
import jax
import jax.numpy as jnp
from jax import lax
from jax.experimental import pallas as pl
from jax.experimental.pallas import tpu as pltpu
from jax.experimental.pallas import tpu_sc as plsc

D_MODEL = 2048
SEQ_LEN = 2048
LANES = 16

_NC = 2
_NS = 16
_NW = _NC * _NS
_ROWS_PER_W = SEQ_LEN // _NW
_CHUNK = 16
_NCHUNK = _ROWS_PER_W // _CHUNK

_mesh = plsc.VectorSubcoreMesh(
    core_axis_name="c", subcore_axis_name="s",
    num_cores=_NC, num_subcores=_NS)


def _emb_add_body(x_hbm, table_hbm, out_hbm,
                  xi_v, xf_v, buf0, buf1, gsem0, gsem1, osem0, osem1):
    wid = lax.axis_index("s") * _NC + lax.axis_index("c")
    base = wid * _ROWS_PER_W

    pltpu.sync_copy(x_hbm, xi_v)
    bufs = (buf0, buf1)
    gsems = (gsem0, gsem1)
    osems = (osem0, osem1)
    pltpu.async_copy(table_hbm.at[xi_v[pl.ds(base, _CHUNK)]], bufs[0], gsems[0])

    @plsc.parallel_loop(0, SEQ_LEN // LANES)
    def _cvt(j):
        xf_v[pl.ds(j * LANES, LANES)] = (
            xi_v[pl.ds(j * LANES, LANES)].astype(jnp.float32))

    for g in range(_NCHUNK):
        b = g & 1
        pltpu.make_async_copy(
            table_hbm.at[xi_v[pl.ds(base + g * _CHUNK, _CHUNK)]],
            bufs[b], gsems[b]).wait()
        if g + 1 < _NCHUNK:
            nb = (g + 1) & 1
            if g >= 1:
                pltpu.make_async_copy(
                    bufs[nb],
                    out_hbm.at[pl.ds(base + (g - 1) * _CHUNK, _CHUNK)],
                    osems[nb],
                ).wait()
            pltpu.async_copy(
                table_hbm.at[xi_v[pl.ds(base + (g + 1) * _CHUNK, _CHUNK)]],
                bufs[nb], gsems[nb])

        for h in range(2):
            @plsc.parallel_loop(0, D_MODEL // LANES)
            def _add_row_vec(j, _b=b, _h=h):
                xv = xf_v[pl.ds(j * LANES, LANES)]
                for r in range(_h * (_CHUNK // 2), (_h + 1) * (_CHUNK // 2)):
                    plsc.addupdate(bufs[_b].at[r, pl.ds(j * LANES, LANES)], xv)

            pltpu.async_copy(
                bufs[b].at[pl.ds(h * (_CHUNK // 2), _CHUNK // 2)],
                out_hbm.at[pl.ds(base + g * _CHUNK + h * (_CHUNK // 2),
                                 _CHUNK // 2)],
                osems[b])

    pltpu.make_async_copy(
        bufs[0], out_hbm.at[pl.ds(base + (_NCHUNK - 2) * _CHUNK, _CHUNK)],
        osems[0]).wait()
    pltpu.make_async_copy(
        bufs[1], out_hbm.at[pl.ds(base + (_NCHUNK - 1) * _CHUNK, _CHUNK)],
        osems[1]).wait()


_SCRATCH = [
    pltpu.VMEM((SEQ_LEN,), jnp.int32),
    pltpu.VMEM((D_MODEL,), jnp.float32),
    pltpu.VMEM((_CHUNK, D_MODEL), jnp.float32),
    pltpu.VMEM((_CHUNK, D_MODEL), jnp.float32),
    pltpu.SemaphoreType.DMA,
    pltpu.SemaphoreType.DMA,
    pltpu.SemaphoreType.DMA,
    pltpu.SemaphoreType.DMA,
]

_emb_add = pl.kernel(
    _emb_add_body,
    out_type=jax.ShapeDtypeStruct((SEQ_LEN, D_MODEL), jnp.float32),
    mesh=_mesh,
    scratch_types=_SCRATCH,
)


def kernel(x, embedding_weight):
    return _emb_add(x, embedding_weight)

# --- scband reference (transcript-rebuilt; emitter-appended) ---
"""Pipeline reference for scband-embedding-encoding-60163901882582 (READ-ONLY COPY).

The authoritative reference and input builder live on the scoring server;
editing this copy changes nothing except your own understanding.
"""

import jax, jax.numpy as jnp
import numpy as np

D_MODEL = 2048
MAX_LEN = 8192
SEQ_LEN = 2048


def setup_inputs(seed: int = 0) -> dict:
    key = jax.random.key(seed)
    k1, k2 = jax.random.split(key)
    # indices into the positional embedding table (values < max_len)
    x = jax.random.randint(k1, (SEQ_LEN,), 0, MAX_LEN, dtype=jnp.int32)
    # nn.Embedding default init: N(0, 1)
    embedding_weight = jax.random.normal(k2, (MAX_LEN, D_MODEL), dtype=jnp.float32)
    return {"x": x, "embedding_weight": embedding_weight}


def reference(x, embedding_weight):
    # pe/position buffers in the torch forward are computed but unused; skip them.
    # embedding lookup (gather rows of the table)
    emb = jnp.take(embedding_weight, x, axis=0)  # [SEQ_LEN, D_MODEL]
    # x + embedding(x): int [SEQ_LEN] broadcasts against float [SEQ_LEN, D_MODEL]
    # (requires SEQ_LEN == D_MODEL, matching torch broadcasting semantics)
    out = x.astype(emb.dtype) + emb
    # dropout p=0.0 -> identity
    return out

if __name__ == "__main__":
    import jax
    _d = setup_inputs()
    print(jax.jit(kernel)(*tuple(_d.values())))

</pallas_src>

<mosaic_0001>
#map = affine_map<(d0, d1) -> (0)>
#map1 = affine_map<(d0, d1) -> (0, 0)>
module attributes {stable_mosaic.version = 14 : i64} {
  func.func @_emb_add_body(%arg0: i32, %arg1: i32, %arg2: memref<2048xi32, #tpu.memory_space<hbm>>, %arg3: memref<8192x2048xf32, #tpu.memory_space<hbm>>, %arg4: memref<2048x2048xf32, #tpu.memory_space<hbm>>, %arg5: memref<2048xi32, #tpu.memory_space<vmem>>, %arg6: memref<2048xf32, #tpu.memory_space<vmem>>, %arg7: memref<16x2048xf32, #tpu.memory_space<vmem>>, %arg8: memref<16x2048xf32, #tpu.memory_space<vmem>>, %arg9: memref<!tpu.dma_semaphore, #tpu.memory_space<semaphore_mem>>, %arg10: memref<!tpu.dma_semaphore, #tpu.memory_space<semaphore_mem>>, %arg11: memref<!tpu.dma_semaphore, #tpu.memory_space<semaphore_mem>>, %arg12: memref<!tpu.dma_semaphore, #tpu.memory_space<semaphore_mem>>) attributes {dimension_semantics = [#tpu.dimension_semantics<core_parallel>, #tpu.dimension_semantics<subcore_parallel>], iteration_bounds = array<i64: 2, 16>, scalar_prefetch = 0 : i64, scratch_operands = 8 : i64, tpu.core_type = #tpu.core_type<sc_vector_subcore>, window_params = [{transform_indices = #map}, {transform_indices = #map1}, {transform_indices = #map1}]} {
    %mul3A = arith.constant 2 : i32
    %mul3A_0 = arith.muli %arg1, %mul3A : i32
    %add3A = arith.addi %mul3A_0, %arg0 : i32
    %mul3A_1 = arith.constant 64 : i32
    %mul3A_2 = arith.muli %add3A, %mul3A_1 : i32
    "tpu.region"() ({
      %run_scoped3A = tpu.sem_alloc : memref<!tpu.dma_semaphore, #tpu.memory_space<semaphore_mem>>
      tpu.enqueue_dma source(%arg2 : memref<2048xi32, #tpu.memory_space<hbm>>) target(%arg5 : memref<2048xi32, #tpu.memory_space<vmem>>) target_semaphore(%run_scoped3A : memref<!tpu.dma_semaphore, #tpu.memory_space<semaphore_mem>>)
      tpu.wait_dma2 semaphore(%run_scoped3A : memref<!tpu.dma_semaphore, #tpu.memory_space<semaphore_mem>>) src(%arg2 : memref<2048xi32, #tpu.memory_space<hbm>>) dst(%arg5 : memref<2048xi32, #tpu.memory_space<vmem>>)
      tpu.yield
    }) : () -> ()
    %get3A = arith.index_cast %mul3A_2 : i32 to index
    %get3A_3 = tpu.vector_load %arg5[%get3A] {strides = array<i32>} : memref<2048xi32, #tpu.memory_space<vmem>>, vector<16xi32>,
    %get3A_4 = vector.shape_cast %get3A_3 : vector<16xi32> to vector<16xi32>
    %dma_start3A = arith.constant 0 : i32
    %dma_start3A_5 = arith.constant 0 : i32
    %dma_start3A_6 = tpu.memref_slice %arg3[%dma_start3A, %dma_start3A_5] : memref<8192x2048xf32, #tpu.memory_space<hbm>> -> memref<8192x2048xf32, #tpu.memory_space<hbm>>
    tpu.enqueue_indirect_dma source(%dma_start3A_6 : memref<8192x2048xf32, #tpu.memory_space<hbm>>) target(%arg7 : memref<16x2048xf32, #tpu.memory_space<vmem>>) offsets(%get3A_4 : vector<16xi32>) semaphore(%arg9 : memref<!tpu.dma_semaphore, #tpu.memory_space<semaphore_mem>>)
    %parallel_loop3A = arith.constant 0 : i32
    %parallel_loop3A_7 = arith.constant 128 : i32
    %parallel_loop3A_8 = arith.constant 1 : i32
    scf.for %parallel_loop3A_224 = %parallel_loop3A to %parallel_loop3A_7 step %parallel_loop3A_8  : i32 {
      %parallel_loop3A_225 = arith.constant 16 : i32
      %parallel_loop3A_226 = arith.muli %parallel_loop3A_224, %parallel_loop3A_225 : i32
      %parallel_loop3A_227 = arith.index_cast %parallel_loop3A_226 : i32 to index
      %parallel_loop3A_228 = tpu.vector_load %arg5[%parallel_loop3A_227] {strides = array<i32>} : memref<2048xi32, #tpu.memory_space<vmem>>, vector<16xi32>,
      %parallel_loop3A_229 = vector.shape_cast %parallel_loop3A_228 : vector<16xi32> to vector<16xi32>
      %parallel_loop3A_230 = arith.sitofp %parallel_loop3A_229 : vector<16xi32> to vector<16xf32>
      %parallel_loop3A_231 = arith.constant 16 : i32
      %parallel_loop3A_232 = arith.muli %parallel_loop3A_224, %parallel_loop3A_231 : i32
      %parallel_loop3A_233 = arith.index_cast %parallel_loop3A_232 : i32 to index
      %parallel_loop3A_234 = tpu.vector_load %arg6[%parallel_loop3A_233] {strides = array<i32>} : memref<2048xf32, #tpu.memory_space<vmem>>, vector<16xf32>,
      %parallel_loop3A_235 = vector.shape_cast %parallel_loop3A_234 : vector<16xf32> to vector<16xf32>
      %parallel_loop3A_236 = vector.shape_cast %parallel_loop3A_230 : vector<16xf32> to vector<16xf32>
      tpu.vector_store %arg6[%parallel_loop3A_233], %parallel_loop3A_236 {strides = array<i32>} : memref<2048xf32, #tpu.memory_space<vmem>>, vector<16xf32>,
    } {sc.loop_unroll_factor = 1 : i64, sc.parallel_access}
    %add3A_9 = arith.constant 0 : i32
    %add3A_10 = arith.addi %mul3A_2, %add3A_9 : i32
    %get3A_11 = arith.index_cast %add3A_10 : i32 to index
    %get3A_12 = tpu.vector_load %arg5[%get3A_11] {strides = array<i32>} : memref<2048xi32, #tpu.memory_space<vmem>>, vector<16xi32>,
    %get3A_13 = vector.shape_cast %get3A_12 : vector<16xi32> to vector<16xi32>
    %dma_wait3A = arith.constant 0 : i32
    %dma_wait3A_14 = arith.constant 0 : i32
    %dma_wait3A_15 = tpu.memref_slice %arg3[%dma_wait3A, %dma_wait3A_14] : memref<8192x2048xf32, #tpu.memory_space<hbm>> -> memref<8192x2048xf32, #tpu.memory_space<hbm>>
    tpu.wait_indirect_dma semaphore(%arg9 : memref<!tpu.dma_semaphore, #tpu.memory_space<semaphore_mem>>) src(%dma_wait3A_15 : memref<8192x2048xf32, #tpu.memory_space<hbm>>) dst(%arg7 : memref<16x2048xf32, #tpu.memory_space<vmem>>)
    %add3A_16 = arith.constant 16 : i32
    %add3A_17 = arith.addi %mul3A_2, %add3A_16 : i32
    %get3A_18 = arith.index_cast %add3A_17 : i32 to index
    %get3A_19 = tpu.vector_load %arg5[%get3A_18] {strides = array<i32>} : memref<2048xi32, #tpu.memory_space<vmem>>, vector<16xi32>,
    %get3A_20 = vector.shape_cast %get3A_19 : vector<16xi32> to vector<16xi32>
    %dma_start3A_21 = arith.constant 0 : i32
    %dma_start3A_22 = arith.constant 0 : i32
    %dma_start3A_23 = tpu.memref_slice %arg3[%dma_start3A_21, %dma_start3A_22] : memref<8192x2048xf32, #tpu.memory_space<hbm>> -> memref<8192x2048xf32, #tpu.memory_space<hbm>>
    tpu.enqueue_indirect_dma source(%dma_start3A_23 : memref<8192x2048xf32, #tpu.memory_space<hbm>>) target(%arg8 : memref<16x2048xf32, #tpu.memory_space<vmem>>) offsets(%get3A_20 : vector<16xi32>) semaphore(%arg10 : memref<!tpu.dma_semaphore, #tpu.memory_space<semaphore_mem>>)
    %parallel_loop3A_24 = arith.constant 0 : i32
    %parallel_loop3A_25 = arith.constant 128 : i32
    %parallel_loop3A_26 = arith.constant 1 : i32
    scf.for %parallel_loop3A_224 = %parallel_loop3A_24 to %parallel_loop3A_25 step %parallel_loop3A_26  : i32 {
      %parallel_loop3A_225 = arith.constant 16 : i32
      %parallel_loop3A_226 = arith.muli %parallel_loop3A_224, %parallel_loop3A_225 : i32
      %parallel_loop3A_227 = arith.index_cast %parallel_loop3A_226 : i32 to index
      %parallel_loop3A_228 = tpu.vector_load %arg6[%parallel_loop3A_227] {strides = array<i32>} : memref<2048xf32, #tpu.memory_space<vmem>>, vector<16xf32>,
      %parallel_loop3A_229 = vector.shape_cast %parallel_loop3A_228 : vector<16xf32> to vector<16xf32>
      %parallel_loop3A_230 = arith.constant 16 : i32
      %parallel_loop3A_231 = arith.muli %parallel_loop3A_224, %parallel_loop3A_230 : i32
      %parallel_loop3A_232 = arith.constant 0 : i32
      %parallel_loop3A_233 = arith.index_cast %parallel_loop3A_232 : i32 to index
      %parallel_loop3A_234 = arith.index_cast %parallel_loop3A_231 : i32 to index
      %parallel_loop3A_235 = tpu.vector_load %arg7[%parallel_loop3A_233, %parallel_loop3A_234] {strides = array<i32>} : memref<16x2048xf32, #tpu.memory_space<vmem>>, vector<1x16xf32>,
      %parallel_loop3A_236 = vector.shape_cast %parallel_loop3A_235 : vector<1x16xf32> to vector<16xf32>
      %parallel_loop3A_237 = vector.shape_cast %parallel_loop3A_229 : vector<16xf32> to vector<1x16xf32>
      tpu.vector_store %arg7[%parallel_loop3A_233, %parallel_loop3A_234], %parallel_loop3A_237 {add = true, strides = array<i32>} : memref<16x2048xf32, #tpu.memory_space<vmem>>, vector<1x16xf32>,
      %parallel_loop3A_238 = arith.constant 16 : i32
      %parallel_loop3A_239 = arith.muli %parallel_loop3A_224, %parallel_loop3A_238 : i32
      %parallel_loop3A_240 = arith.constant 1 : i32
      %parallel_loop3A_241 = arith.index_cast %parallel_loop3A_240 : i32 to index
      %parallel_loop3A_242 = arith.index_cast %parallel_loop3A_239 : i32 to index
      %parallel_loop3A_243 = tpu.vector_load %arg7[%parallel_loop3A_241, %parallel_loop3A_242] {strides = array<i32>} : memref<16x2048xf32, #tpu.memory_space<vmem>>, vector<1x16xf32>,
      %parallel_loop3A_244 = vector.shape_cast %parallel_loop3A_243 : vector<1x16xf32> to vector<16xf32>
      %parallel_loop3A_245 = vector.shape_cast %parallel_loop3A_229 : vector<16xf32> to vector<1x16xf32>
      tpu.vector_store %arg7[%parallel_loop3A_241, %parallel_loop3A_242], %parallel_loop3A_245 {add = true, strides = array<i32>} : memref<16x2048xf32, #tpu.memory_space<vmem>>, vector<1x16xf32>,
      %parallel_loop3A_246 = arith.constant 16 : i32
      %parallel_loop3A_247 = arith.muli %parallel_loop3A_224, %parallel_loop3A_246 : i32
      %parallel_loop3A_248 = arith.constant 2 : i32
      %parallel_loop3A_249 = arith.index_cast %parallel_loop3A_248 : i32 to index
      %parallel_loop3A_250 = arith.index_cast %parallel_loop3A_247 : i32 to index
      %parallel_loop3A_251 = tpu.vector_load %arg7[%parallel_loop3A_249, %parallel_loop3A_250] {strides = array<i32>} : memref<16x2048xf32, #tpu.memory_space<vmem>>, vector<1x16xf32>,
      %parallel_loop3A_252 = vector.shape_cast %parallel_loop3A_251 : vector<1x16xf32> to vector<16xf32>
      %parallel_loop3A_253 = vector.shape_cast %parallel_loop3A_229 : vector<16xf32> to vector<1x16xf32>
      tpu.vector_store %arg7[%parallel_loop3A_249, %parallel_loop3A_250], %parallel_loop3A_253 {add = true, strides = array<i32>} : memref<16x2048xf32, #tpu.memory_space<vmem>>, vector<1x16xf32>,
      %parallel_loop3A_254 = arith.constant 16 : i32
      %parallel_loop3A_255 = arith.muli %parallel_loop3A_224, %parallel_loop3A_254 : i32
      %parallel_loop3A_256 = arith.constant 3 : i32
      %parallel_loop3A_257 = arith.index_cast %parallel_loop3A_256 : i32 to index
      %parallel_loop3A_258 = arith.index_cast %parallel_loop3A_255 : i32 to index
      %parallel_loop3A_259 = tpu.vector_load %arg7[%parallel_loop3A_257, %parallel_loop3A_258] {strides = array<i32>} : memref<16x2048xf32, #tpu.memory_space<vmem>>, vector<1x16xf32>,
      %parallel_loop3A_260 = vector.shape_cast %parallel_loop3A_259 : vector<1x16xf32> to vector<16xf32>
      %parallel_loop3A_261 = vector.shape_cast %parallel_loop3A_229 : vector<16xf32> to vector<1x16xf32>
      tpu.vector_store %arg7[%parallel_loop3A_257, %parallel_loop3A_258], %parallel_loop3A_261 {add = true, strides = array<i32>} : memref<16x2048xf32, #tpu.memory_space<vmem>>, vector<1x16xf32>,
      %parallel_loop3A_262 = arith.constant 16 : i32
      %parallel_loop3A_263 = arith.muli %parallel_loop3A_224, %parallel_loop3A_262 : i32
      %parallel_loop3A_264 = arith.constant 4 : i32
      %parallel_loop3A_265 = arith.index_cast %parallel_loop3A_264 : i32 to index
      %parallel_loop3A_266 = arith.index_cast %parallel_loop3A_263 : i32 to index
      %parallel_loop3A_267 = tpu.vector_load %arg7[%parallel_loop3A_265, %parallel_loop3A_266] {strides = array<i32>} : memref<16x2048xf32, #tpu.memory_space<vmem>>, vector<1x16xf32>,
      %parallel_loop3A_268 = vector.shape_cast %parallel_loop3A_267 : vector<1x16xf32> to vector<16xf32>
      %parallel_loop3A_269 = vector.shape_cast %parallel_loop3A_229 : vector<16xf32> to vector<1x16xf32>
      tpu.vector_store %arg7[%parallel_loop3A_265, %parallel_loop3A_266], %parallel_loop3A_269 {add = true, strides = array<i32>} : memref<16x2048xf32, #tpu.memory_space<vmem>>, vector<1x16xf32>,
      %parallel_loop3A_270 = arith.constant 16 : i32
      %parallel_loop3A_271 = arith.muli %parallel_loop3A_224, %parallel_loop3A_270 : i32
      %parallel_loop3A_272 = arith.constant 5 : i32
      %parallel_loop3A_273 = arith.index_cast %parallel_loop3A_272 : i32 to index
      %parallel_loop3A_274 = arith.index_cast %parallel_loop3A_271 : i32 to index
      %parallel_loop3A_275 = tpu.vector_load %arg7[%parallel_loop3A_273, %parallel_loop3A_274] {strides = array<i32>} : memref<16x2048xf32, #tpu.memory_space<vmem>>, vector<1x16xf32>,
      %parallel_loop3A_276 = vector.shape_cast %parallel_loop3A_275 : vector<1x16xf32> to vector<16xf32>
      %parallel_loop3A_277 = vector.shape_cast %parallel_loop3A_229 : vector<16xf32> to vector<1x16xf32>
      tpu.vector_store %arg7[%parallel_loop3A_273, %parallel_loop3A_274], %parallel_loop3A_277 {add = true, strides = array<i32>} : memref<16x2048xf32, #tpu.memory_space<vmem>>, vector<1x16xf32>,
      %parallel_loop3A_278 = arith.constant 16 : i32
      %parallel_loop3A_279 = arith.muli %parallel_loop3A_224, %parallel_loop3A_278 : i32
      %parallel_loop3A_280 = arith.constant 6 : i32
      %parallel_loop3A_281 = arith.index_cast %parallel_loop3A_280 : i32 to index
      %parallel_loop3A_282 = arith.index_cast %parallel_loop3A_279 : i32 to index
      %parallel_loop3A_283 = tpu.vector_load %arg7[%parallel_loop3A_281, %parallel_loop3A_282] {strides = array<i32>} : memref<16x2048xf32, #tpu.memory_space<vmem>>, vector<1x16xf32>,
      %parallel_loop3A_284 = vector.shape_cast %parallel_loop3A_283 : vector<1x16xf32> to vector<16xf32>
      %parallel_loop3A_285 = vector.shape_cast %parallel_loop3A_229 : vector<16xf32> to vector<1x16xf32>
      tpu.vector_store %arg7[%parallel_loop3A_281, %parallel_loop3A_282], %parallel_loop3A_285 {add = true, strides = array<i32>} : memref<16x2048xf32, #tpu.memory_space<vmem>>, vector<1x16xf32>,
      %parallel_loop3A_286 = arith.constant 16 : i32
      %parallel_loop3A_287 = arith.muli %parallel_loop3A_224, %parallel_loop3A_286 : i32
      %parallel_loop3A_288 = arith.constant 7 : i32
      %parallel_loop3A_289 = arith.index_cast %parallel_loop3A_288 : i32 to index
      %parallel_loop3A_290 = arith.index_cast %parallel_loop3A_287 : i32 to index
      %parallel_loop3A_291 = tpu.vector_load %arg7[%parallel_loop3A_289, %parallel_loop3A_290] {strides = array<i32>} : memref<16x2048xf32, #tpu.memory_space<vmem>>, vector<1x16xf32>,
      %parallel_loop3A_292 = vector.shape_cast %parallel_loop3A_291 : vector<1x16xf32> to vector<16xf32>
      %parallel_loop3A_293 = vector.shape_cast %parallel_loop3A_229 : vector<16xf32> to vector<1x16xf32>
      tpu.vector_store %arg7[%parallel_loop3A_289, %parallel_loop3A_290], %parallel_loop3A_293 {add = true, strides = array<i32>} : memref<16x2048xf32, #tpu.memory_space<vmem>>, vector<1x16xf32>,
    } {sc.loop_unroll_factor = 1 : i64, sc.parallel_access}
    %add3A_27 = arith.constant 0 : i32
    %add3A_28 = arith.addi %mul3A_2, %add3A_27 : i32
    %add3A_29 = arith.constant 0 : i32
    %add3A_30 = arith.addi %add3A_28, %add3A_29 : i32
    %dma_start3A_31 = arith.constant 0 : i32
    %dma_start3A_32 = arith.constant 0 : i32
    %dma_start3A_33 = tpu.memref_slice %arg7[%dma_start3A_31, %dma_start3A_32] : memref<16x2048xf32, #tpu.memory_space<vmem>> -> memref<8x2048xf32, #tpu.memory_space<vmem>>
    %dma_start3A_34 = arith.constant 0 : i32
    %dma_start3A_35 = tpu.memref_slice %arg4[%add3A_30, %dma_start3A_34] : memref<2048x2048xf32, #tpu.memory_space<hbm>> -> memref<8x2048xf32, #tpu.memory_space<hbm>>
    %dma_start3A_36 = arith.constant 0 : i32
    %dma_start3A_37 = tpu.memref_slice %arg4[%add3A_30, %dma_start3A_36] : memref<2048x2048xf32, #tpu.memory_space<hbm>> -> memref<8x2048xf32, #tpu.memory_space<hbm>>
    %dma_start3A_38 = arith.constant 0 : i32
    %dma_start3A_39 = arith.constant 0 : i32
    %dma_start3A_40 = tpu.memref_slice %arg7[%dma_start3A_38, %dma_start3A_39] : memref<16x2048xf32, #tpu.memory_space<vmem>> -> memref<8x2048xf32, #tpu.memory_space<vmem>>
    tpu.enqueue_dma source(%dma_start3A_40 : memref<8x2048xf32, #tpu.memory_space<vmem>>) target(%dma_start3A_37 : memref<8x2048xf32, #tpu.memory_space<hbm>>) target_semaphore(%arg11 : memref<!tpu.dma_semaphore, #tpu.memory_space<semaphore_mem>>)
    %parallel_loop3A_41 = arith.constant 0 : i32
    %parallel_loop3A_42 = arith.constant 128 : i32
    %parallel_loop3A_43 = arith.constant 1 : i32
    scf.for %parallel_loop3A_224 = %parallel_loop3A_41 to %parallel_loop3A_42 step %parallel_loop3A_43  : i32 {
      %parallel_loop3A_225 = arith.constant 16 : i32
      %parallel_loop3A_226 = arith.muli %parallel_loop3A_224, %parallel_loop3A_225 : i32
      %parallel_loop3A_227 = arith.index_cast %parallel_loop3A_226 : i32 to index
      %parallel_loop3A_228 = tpu.vector_load %arg6[%parallel_loop3A_227] {strides = array<i32>} : memref<2048xf32, #tpu.memory_space<vmem>>, vector<16xf32>,
      %parallel_loop3A_229 = vector.shape_cast %parallel_loop3A_228 : vector<16xf32> to vector<16xf32>
      %parallel_loop3A_230 = arith.constant 16 : i32
      %parallel_loop3A_231 = arith.muli %parallel_loop3A_224, %parallel_loop3A_230 : i32
      %parallel_loop3A_232 = arith.constant 8 : i32
      %parallel_loop3A_233 = arith.index_cast %parallel_loop3A_232 : i32 to index
      %parallel_loop3A_234 = arith.index_cast %parallel_loop3A_231 : i32 to index
      %parallel_loop3A_235 = tpu.vector_load %arg7[%parallel_loop3A_233, %parallel_loop3A_234] {strides = array<i32>} : memref<16x2048xf32, #tpu.memory_space<vmem>>, vector<1x16xf32>,
      %parallel_loop3A_236 = vector.shape_cast %parallel_loop3A_235 : vector<1x16xf32> to vector<16xf32>
      %parallel_loop3A_237 = vector.shape_cast %parallel_loop3A_229 : vector<16xf32> to vector<1x16xf32>
      tpu.vector_store %arg7[%parallel_loop3A_233, %parallel_loop3A_234], %parallel_loop3A_237 {add = true, strides = array<i32>} : memref<16x2048xf32, #tpu.memory_space<vmem>>, vector<1x16xf32>,
      %parallel_loop3A_238 = arith.constant 16 : i32
      %parallel_loop3A_239 = arith.muli %parallel_loop3A_224, %parallel_loop3A_238 : i32
      %parallel_loop3A_240 = arith.constant 9 : i32
      %parallel_loop3A_241 = arith.index_cast %parallel_loop3A_240 : i32 to index
      %parallel_loop3A_242 = arith.index_cast %parallel_loop3A_239 : i32 to index
      %parallel_loop3A_243 = tpu.vector_load %arg7[%parallel_loop3A_241, %parallel_loop3A_242] {strides = array<i32>} : memref<16x2048xf32, #tpu.memory_space<vmem>>, vector<1x16xf32>,
      %parallel_loop3A_244 = vector.shape_cast %parallel_loop3A_243 : vector<1x16xf32> to vector<16xf32>
      %parallel_loop3A_245 = vector.shape_cast %parallel_loop3A_229 : vector<16xf32> to vector<1x16xf32>
      tpu.vector_store %arg7[%parallel_loop3A_241, %parallel_loop3A_242], %parallel_loop3A_245 {add = true, strides = array<i32>} : memref<16x2048xf32, #tpu.memory_space<vmem>>, vector<1x16xf32>,
      %parallel_loop3A_246 = arith.constant 16 : i32
      %parallel_loop3A_247 = arith.muli %parallel_loop3A_224, %parallel_loop3A_246 : i32
      %parallel_loop3A_248 = arith.constant 10 : i32
      %parallel_loop3A_249 = arith.index_cast %parallel_loop3A_248 : i32 to index
      %parallel_loop3A_250 = arith.index_cast %parallel_loop3A_247 : i32 to index
      %parallel_loop3A_251 = tpu.vector_load %arg7[%parallel_loop3A_249, %parallel_loop3A_250] {strides = array<i32>} : memref<16x2048xf32, #tpu.memory_space<vmem>>, vector<1x16xf32>,
      %parallel_loop3A_252 = vector.shape_cast %parallel_loop3A_251 : vector<1x16xf32> to vector<16xf32>
      %parallel_loop3A_253 = vector.shape_cast %parallel_loop3A_229 : vector<16xf32> to vector<1x16xf32>
      tpu.vector_store %arg7[%parallel_loop3A_249, %parallel_loop3A_250], %parallel_loop3A_253 {add = true, strides = array<i32>} : memref<16x2048xf32, #tpu.memory_space<vmem>>, vector<1x16xf32>,
      %parallel_loop3A_254 = arith.constant 16 : i32
      %parallel_loop3A_255 = arith.muli %parallel_loop3A_224, %parallel_loop3A_254 : i32
      %parallel_loop3A_256 = arith.constant 11 : i32
      %parallel_loop3A_257 = arith.index_cast %parallel_loop3A_256 : i32 to index
      %parallel_loop3A_258 = arith.index_cast %parallel_loop3A_255 : i32 to index
      %parallel_loop3A_259 = tpu.vector_load %arg7[%parallel_loop3A_257, %parallel_loop3A_258] {strides = array<i32>} : memref<16x2048xf32, #tpu.memory_space<vmem>>, vector<1x16xf32>,
      %parallel_loop3A_260 = vector.shape_cast %parallel_loop3A_259 : vector<1x16xf32> to vector<16xf32>
      %parallel_loop3A_261 = vector.shape_cast %parallel_loop3A_229 : vector<16xf32> to vector<1x16xf32>
      tpu.vector_store %arg7[%parallel_loop3A_257, %parallel_loop3A_258], %parallel_loop3A_261 {add = true, strides = array<i32>} : memref<16x2048xf32, #tpu.memory_space<vmem>>, vector<1x16xf32>,
      %parallel_loop3A_262 = arith.constant 16 : i32
      %parallel_loop3A_263 = arith.muli %parallel_loop3A_224, %parallel_loop3A_262 : i32
      %parallel_loop3A_264 = arith.constant 12 : i32
      %parallel_loop3A_265 = arith.index_cast %parallel_loop3A_264 : i32 to index
      %parallel_loop3A_266 = arith.index_cast %parallel_loop3A_263 : i32 to index
      %parallel_loop3A_267 = tpu.vector_load %arg7[%parallel_loop3A_265, %parallel_loop3A_266] {strides = array<i32>} : memref<16x2048xf32, #tpu.memory_space<vmem>>, vector<1x16xf32>,
      %parallel_loop3A_268 = vector.shape_cast %parallel_loop3A_267 : vector<1x16xf32> to vector<16xf32>
      %parallel_loop3A_269 = vector.shape_cast %parallel_loop3A_229 : vector<16xf32> to vector<1x16xf32>
      tpu.vector_store %arg7[%parallel_loop3A_265, %parallel_loop3A_266], %parallel_loop3A_269 {add = true, strides = array<i32>} : memref<16x2048xf32, #tpu.memory_space<vmem>>, vector<1x16xf32>,
      %parallel_loop3A_270 = arith.constant 16 : i32
      %parallel_loop3A_271 = arith.muli %parallel_loop3A_224, %parallel_loop3A_270 : i32
      %parallel_loop3A_272 = arith.constant 13 : i32
      %parallel_loop3A_273 = arith.index_cast %parallel_loop3A_272 : i32 to index
      %parallel_loop3A_274 = arith.index_cast %parallel_loop3A_271 : i32 to index
      %parallel_loop3A_275 = tpu.vector_load %arg7[%parallel_loop3A_273, %parallel_loop3A_274] {strides = array<i32>} : memref<16x2048xf32, #tpu.memory_space<vmem>>, vector<1x16xf32>,
      %parallel_loop3A_276 = vector.shape_cast %parallel_loop3A_275 : vector<1x16xf32> to vector<16xf32>
      %parallel_loop3A_277 = vector.shape_cast %parallel_loop3A_229 : vector<16xf32> to vector<1x16xf32>
      tpu.vector_store %arg7[%parallel_loop3A_273, %parallel_loop3A_274], %parallel_loop3A_277 {add = true, strides = array<i32>} : memref<16x2048xf32, #tpu.memory_space<vmem>>, vector<1x16xf32>,
      %parallel_loop3A_278 = arith.constant 16 : i32
      %parallel_loop3A_279 = arith.muli %parallel_loop3A_224, %parallel_loop3A_278 : i32
      %parallel_loop3A_280 = arith.constant 14 : i32
      %parallel_loop3A_281 = arith.index_cast %parallel_loop3A_280 : i32 to index
      %parallel_loop3A_282 = arith.index_cast %parallel_loop3A_279 : i32 to index
      %parallel_loop3A_283 = tpu.vector_load %arg7[%parallel_loop3A_281, %parallel_loop3A_282] {strides = array<i32>} : memref<16x2048xf32, #tpu.memory_space<vmem>>, vector<1x16xf32>,
      %parallel_loop3A_284 = vector.shape_cast %parallel_loop3A_283 : vector<1x16xf32> to vector<16xf32>
      %parallel_loop3A_285 = vector.shape_cast %parallel_loop3A_229 : vector<16xf32> to vector<1x16xf32>
      tpu.vector_store %arg7[%parallel_loop3A_281, %parallel_loop3A_282], %parallel_loop3A_285 {add = true, strides = array<i32>} : memref<16x2048xf32, #tpu.memory_space<vmem>>, vector<1x16xf32>,
      %parallel_loop3A_286 = arith.constant 16 : i32
      %parallel_loop3A_287 = arith.muli %parallel_loop3A_224, %parallel_loop3A_286 : i32
      %parallel_loop3A_288 = arith.constant 15 : i32
      %parallel_loop3A_289 = arith.index_cast %parallel_loop3A_288 : i32 to index
      %parallel_loop3A_290 = arith.index_cast %parallel_loop3A_287 : i32 to index
      %parallel_loop3A_291 = tpu.vector_load %arg7[%parallel_loop3A_289, %parallel_loop3A_290] {strides = array<i32>} : memref<16x2048xf32, #tpu.memory_space<vmem>>, vector<1x16xf32>,
      %parallel_loop3A_292 = vector.shape_cast %parallel_loop3A_291 : vector<1x16xf32> to vector<16xf32>
      %parallel_loop3A_293 = vector.shape_cast %parallel_loop3A_229 : vector<16xf32> to vector<1x16xf32>
      tpu.vector_store %arg7[%parallel_loop3A_289, %parallel_loop3A_290], %parallel_loop3A_293 {add = true, strides = array<i32>} : memref<16x2048xf32, #tpu.memory_space<vmem>>, vector<1x16xf32>,
    } {sc.loop_unroll_factor = 1 : i64, sc.parallel_access}
    %add3A_44 = arith.constant 0 : i32
    %add3A_45 = arith.addi %mul3A_2, %add3A_44 : i32
    %add3A_46 = arith.constant 8 : i32
    %add3A_47 = arith.addi %add3A_45, %add3A_46 : i32
    %dma_start3A_48 = arith.constant 8 : i32
    %dma_start3A_49 = arith.constant 0 : i32
    %dma_start3A_50 = tpu.memref_slice %arg7[%dma_start3A_48, %dma_start3A_49] : memref<16x2048xf32, #tpu.memory_space<vmem>> -> memref<8x2048xf32, #tpu.memory_space<vmem>>
    %dma_start3A_51 = arith.constant 0 : i32
    %dma_start3A_52 = tpu.memref_slice %arg4[%add3A_47, %dma_start3A_51] : memref<2048x2048xf32, #tpu.memory_space<hbm>> -> memref<8x2048xf32, #tpu.memory_space<hbm>>
    %dma_start3A_53 = arith.constant 0 : i32
    %dma_start3A_54 = tpu.memref_slice %arg4[%add3A_47, %dma_start3A_53] : memref<2048x2048xf32, #tpu.memory_space<hbm>> -> memref<8x2048xf32, #tpu.memory_space<hbm>>
    %dma_start3A_55 = arith.constant 8 : i32
    %dma_start3A_56 = arith.constant 0 : i32
    %dma_start3A_57 = tpu.memref_slice %arg7[%dma_start3A_55, %dma_start3A_56] : memref<16x2048xf32, #tpu.memory_space<vmem>> -> memref<8x2048xf32, #tpu.memory_space<vmem>>
    tpu.enqueue_dma source(%dma_start3A_57 : memref<8x2048xf32, #tpu.memory_space<vmem>>) target(%dma_start3A_54 : memref<8x2048xf32, #tpu.memory_space<hbm>>) target_semaphore(%arg11 : memref<!tpu.dma_semaphore, #tpu.memory_space<semaphore_mem>>)
    %add3A_58 = arith.constant 16 : i32
    %add3A_59 = arith.addi %mul3A_2, %add3A_58 : i32
    %get3A_60 = arith.index_cast %add3A_59 : i32 to index
    %get3A_61 = tpu.vector_load %arg5[%get3A_60] {strides = array<i32>} : memref<2048xi32, #tpu.memory_space<vmem>>, vector<16xi32>,
    %get3A_62 = vector.shape_cast %get3A_61 : vector<16xi32> to vector<16xi32>
    %dma_wait3A_63 = arith.constant 0 : i32
    %dma_wait3A_64 = arith.constant 0 : i32
    %dma_wait3A_65 = tpu.memref_slice %arg3[%dma_wait3A_63, %dma_wait3A_64] : memref<8192x2048xf32, #tpu.memory_space<hbm>> -> memref<8192x2048xf32, #tpu.memory_space<hbm>>
    tpu.wait_indirect_dma semaphore(%arg10 : memref<!tpu.dma_semaphore, #tpu.memory_space<semaphore_mem>>) src(%dma_wait3A_65 : memref<8192x2048xf32, #tpu.memory_space<hbm>>) dst(%arg8 : memref<16x2048xf32, #tpu.memory_space<vmem>>)
    %add3A_66 = arith.constant 0 : i32
    %add3A_67 = arith.addi %mul3A_2, %add3A_66 : i32
    %dma_wait3A_68 = arith.constant 0 : i32
    %dma_wait3A_69 = tpu.memref_slice %arg4[%add3A_67, %dma_wait3A_68] : memref<2048x2048xf32, #tpu.memory_space<hbm>> -> memref<16x2048xf32, #tpu.memory_space<hbm>>
    %dma_wait3A_70 = arith.constant 0 : i32
    %dma_wait3A_71 = tpu.memref_slice %arg4[%add3A_67, %dma_wait3A_70] : memref<2048x2048xf32, #tpu.memory_space<hbm>> -> memref<16x2048xf32, #tpu.memory_space<hbm>>
    tpu.wait_dma2 semaphore(%arg11 : memref<!tpu.dma_semaphore, #tpu.memory_space<semaphore_mem>>) src(%arg7 : memref<16x2048xf32, #tpu.memory_space<vmem>>) dst(%dma_wait3A_71 : memref<16x2048xf32, #tpu.memory_space<hbm>>)
    %add3A_72 = arith.constant 32 : i32
    %add3A_73 = arith.addi %mul3A_2, %add3A_72 : i32
    %get3A_74 = arith.index_cast %add3A_73 : i32 to index
    %get3A_75 = tpu.vector_load %arg5[%get3A_74] {strides = array<i32>} : memref<2048xi32, #tpu.memory_space<vmem>>, vector<16xi32>,
    %get3A_76 = vector.shape_cast %get3A_75 : vector<16xi32> to vector<16xi32>
    %dma_start3A_77 = arith.constant 0 : i32
    %dma_start3A_78 = arith.constant 0 : i32
    %dma_start3A_79 = tpu.memref_slice %arg3[%dma_start3A_77, %dma_start3A_78] : memref<8192x2048xf32, #tpu.memory_space<hbm>> -> memref<8192x2048xf32, #tpu.memory_space<hbm>>
    tpu.enqueue_indirect_dma source(%dma_start3A_79 : memref<8192x2048xf32, #tpu.memory_space<hbm>>) target(%arg7 : memref<16x2048xf32, #tpu.memory_space<vmem>>) offsets(%get3A_76 : vector<16xi32>) semaphore(%arg9 : memref<!tpu.dma_semaphore, #tpu.memory_space<semaphore_mem>>)
    %parallel_loop3A_80 = arith.constant 0 : i32
    %parallel_loop3A_81 = arith.constant 128 : i32
    %parallel_loop3A_82 = arith.constant 1 : i32
    scf.for %parallel_loop3A_224 = %parallel_loop3A_80 to %parallel_loop3A_81 step %parallel_loop3A_82  : i32 {
      %parallel_loop3A_225 = arith.constant 16 : i32
      %parallel_loop3A_226 = arith.muli %parallel_loop3A_224, %parallel_loop3A_225 : i32
      %parallel_loop3A_227 = arith.index_cast %parallel_loop3A_226 : i32 to index
      %parallel_loop3A_228 = tpu.vector_load %arg6[%parallel_loop3A_227] {strides = array<i32>} : memref<2048xf32, #tpu.memory_space<vmem>>, vector<16xf32>,
      %parallel_loop3A_229 = vector.shape_cast %parallel_loop3A_228 : vector<16xf32> to vector<16xf32>
      %parallel_loop3A_230 = arith.constant 16 : i32
      %parallel_loop3A_231 = arith.muli %parallel_loop3A_224, %parallel_loop3A_230 : i32
      %parallel_loop3A_232 = arith.constant 0 : i32
      %parallel_loop3A_233 = arith.index_cast %parallel_loop3A_232 : i32 to index
      %parallel_loop3A_234 = arith.index_cast %parallel_loop3A_231 : i32 to index
      %parallel_loop3A_235 = tpu.vector_load %arg8[%parallel_loop3A_233, %parallel_loop3A_234] {strides = array<i32>} : memref<16x2048xf32, #tpu.memory_space<vmem>>, vector<1x16xf32>,
      %parallel_loop3A_236 = vector.shape_cast %parallel_loop3A_235 : vector<1x16xf32> to vector<16xf32>
      %parallel_loop3A_237 = vector.shape_cast %parallel_loop3A_229 : vector<16xf32> to vector<1x16xf32>
      tpu.vector_store %arg8[%parallel_loop3A_233, %parallel_loop3A_234], %parallel_loop3A_237 {add = true, strides = array<i32>} : memref<16x2048xf32, #tpu.memory_space<vmem>>, vector<1x16xf32>,
      %parallel_loop3A_238 = arith.constant 16 : i32
      %parallel_loop3A_239 = arith.muli %parallel_loop3A_224, %parallel_loop3A_238 : i32
      %parallel_loop3A_240 = arith.constant 1 : i32
      %parallel_loop3A_241 = arith.index_cast %parallel_loop3A_240 : i32 to index
      %parallel_loop3A_242 = arith.index_cast %parallel_loop3A_239 : i32 to index
      %parallel_loop3A_243 = tpu.vector_load %arg8[%parallel_loop3A_241, %parallel_loop3A_242] {strides = array<i32>} : memref<16x2048xf32, #tpu.memory_space<vmem>>, vector<1x16xf32>,
      %parallel_loop3A_244 = vector.shape_cast %parallel_loop3A_243 : vector<1x16xf32> to vector<16xf32>
      %parallel_loop3A_245 = vector.shape_cast %parallel_loop3A_229 : vector<16xf32> to vector<1x16xf32>
      tpu.vector_store %arg8[%parallel_loop3A_241, %parallel_loop3A_242], %parallel_loop3A_245 {add = true, strides = array<i32>} : memref<16x2048xf32, #tpu.memory_space<vmem>>, vector<1x16xf32>,
      %parallel_loop3A_246 = arith.constant 16 : i32
      %parallel_loop3A_247 = arith.muli %parallel_loop3A_224, %parallel_loop3A_246 : i32
      %parallel_loop3A_248 = arith.constant 2 : i32
      %parallel_loop3A_249 = arith.index_cast %parallel_loop3A_248 : i32 to index
      %parallel_loop3A_250 = arith.index_cast %parallel_loop3A_247 : i32 to index
      %parallel_loop3A_251 = tpu.vector_load %arg8[%parallel_loop3A_249, %parallel_loop3A_250] {strides = array<i32>} : memref<16x2048xf32, #tpu.memory_space<vmem>>, vector<1x16xf32>,
      %parallel_loop3A_252 = vector.shape_cast %parallel_loop3A_251 : vector<1x16xf32> to vector<16xf32>
      %parallel_loop3A_253 = vector.shape_cast %parallel_loop3A_229 : vector<16xf32> to vector<1x16xf32>
      tpu.vector_store %arg8[%parallel_loop3A_249, %parallel_loop3A_250], %parallel_loop3A_253 {add = true, strides = array<i32>} : memref<16x2048xf32, #tpu.memory_space<vmem>>, vector<1x16xf32>,
      %parallel_loop3A_254 = arith.constant 16 : i32
      %parallel_loop3A_255 = arith.muli %parallel_loop3A_224, %parallel_loop3A_254 : i32
      %parallel_loop3A_256 = arith.constant 3 : i32
      %parallel_loop3A_257 = arith.index_cast %parallel_loop3A_256 : i32 to index
      %parallel_loop3A_258 = arith.index_cast %parallel_loop3A_255 : i32 to index
      %parallel_loop3A_259 = tpu.vector_load %arg8[%parallel_loop3A_257, %parallel_loop3A_258] {strides = array<i32>} : memref<16x2048xf32, #tpu.memory_space<vmem>>, vector<1x16xf32>,
      %parallel_loop3A_260 = vector.shape_cast %parallel_loop3A_259 : vector<1x16xf32> to vector<16xf32>
      %parallel_loop3A_261 = vector.shape_cast %parallel_loop3A_229 : vector<16xf32> to vector<1x16xf32>
      tpu.vector_store %arg8[%parallel_loop3A_257, %parallel_loop3A_258], %parallel_loop3A_261 {add = true, strides = array<i32>} : memref<16x2048xf32, #tpu.memory_space<vmem>>, vector<1x16xf32>,
      %parallel_loop3A_262 = arith.constant 16 : i32
      %parallel_loop3A_263 = arith.muli %parallel_loop3A_224, %parallel_loop3A_262 : i32
      %parallel_loop3A_264 = arith.constant 4 : i32
      %parallel_loop3A_265 = arith.index_cast %parallel_loop3A_264 : i32 to index
      %parallel_loop3A_266 = arith.index_cast %parallel_loop3A_263 : i32 to index
      %parallel_loop3A_267 = tpu.vector_load %arg8[%parallel_loop3A_265, %parallel_loop3A_266] {strides = array<i32>} : memref<16x2048xf32, #tpu.memory_space<vmem>>, vector<1x16xf32>,
      %parallel_loop3A_268 = vector.shape_cast %parallel_loop3A_267 : vector<1x16xf32> to vector<16xf32>
      %parallel_loop3A_269 = vector.shape_cast %parallel_loop3A_229 : vector<16xf32> to vector<1x16xf32>
      tpu.vector_store %arg8[%parallel_loop3A_265, %parallel_loop3A_266], %parallel_loop3A_269 {add = true, strides = array<i32>} : memref<16x2048xf32, #tpu.memory_space<vmem>>, vector<1x16xf32>,
      %parallel_loop3A_270 = arith.constant 16 : i32
      %parallel_loop3A_271 = arith.muli %parallel_loop3A_224, %parallel_loop3A_270 : i32
      %parallel_loop3A_272 = arith.constant 5 : i32
      %parallel_loop3A_273 = arith.index_cast %parallel_loop3A_272 : i32 to index
      %parallel_loop3A_274 = arith.index_cast %parallel_loop3A_271 : i32 to index
      %parallel_loop3A_275 = tpu.vector_load %arg8[%parallel_loop3A_273, %parallel_loop3A_274] {strides = array<i32>} : memref<16x2048xf32, #tpu.memory_space<vmem>>, vector<1x16xf32>,
      %parallel_loop3A_276 = vector.shape_cast %parallel_loop3A_275 : vector<1x16xf32> to vector<16xf32>
      %parallel_loop3A_277 = vector.shape_cast %parallel_loop3A_229 : vector<16xf32> to vector<1x16xf32>
      tpu.vector_store %arg8[%parallel_loop3A_273, %parallel_loop3A_274], %parallel_loop3A_277 {add = true, strides = array<i32>} : memref<16x2048xf32, #tpu.memory_space<vmem>>, vector<1x16xf32>,
      %parallel_loop3A_278 = arith.constant 16 : i32
      %parallel_loop3A_279 = arith.muli %parallel_loop3A_224, %parallel_loop3A_278 : i32
      %parallel_loop3A_280 = arith.constant 6 : i32
      %parallel_loop3A_281 = arith.index_cast %parallel_loop3A_280 : i32 to index
      %parallel_loop3A_282 = arith.index_cast %parallel_loop3A_279 : i32 to index
      %parallel_loop3A_283 = tpu.vector_load %arg8[%parallel_loop3A_281, %parallel_loop3A_282] {strides = array<i32>} : memref<16x2048xf32, #tpu.memory_space<vmem>>, vector<1x16xf32>,
      %parallel_loop3A_284 = vector.shape_cast %parallel_loop3A_283 : vector<1x16xf32> to vector<16xf32>
      %parallel_loop3A_285 = vector.shape_cast %parallel_loop3A_229 : vector<16xf32> to vector<1x16xf32>
      tpu.vector_store %arg8[%parallel_loop3A_281, %parallel_loop3A_282], %parallel_loop3A_285 {add = true, strides = array<i32>} : memref<16x2048xf32, #tpu.memory_space<vmem>>, vector<1x16xf32>,
      %parallel_loop3A_286 = arith.constant 16 : i32
      %parallel_loop3A_287 = arith.muli %parallel_loop3A_224, %parallel_loop3A_286 : i32
      %parallel_loop3A_288 = arith.constant 7 : i32
      %parallel_loop3A_289 = arith.index_cast %parallel_loop3A_288 : i32 to index
      %parallel_loop3A_290 = arith.index_cast %parallel_loop3A_287 : i32 to index
      %parallel_loop3A_291 = tpu.vector_load %arg8[%parallel_loop3A_289, %parallel_loop3A_290] {strides = array<i32>} : memref<16x2048xf32, #tpu.memory_space<vmem>>, vector<1x16xf32>,
      %parallel_loop3A_292 = vector.shape_cast %parallel_loop3A_291 : vector<1x16xf32> to vector<16xf32>
      %parallel_loop3A_293 = vector.shape_cast %parallel_loop3A_229 : vector<16xf32> to vector<1x16xf32>
      tpu.vector_store %arg8[%parallel_loop3A_289, %parallel_loop3A_290], %parallel_loop3A_293 {add = true, strides = array<i32>} : memref<16x2048xf32, #tpu.memory_space<vmem>>, vector<1x16xf32>,
    } {sc.loop_unroll_factor = 1 : i64, sc.parallel_access}
    %add3A_83 = arith.constant 16 : i32
    %add3A_84 = arith.addi %mul3A_2, %add3A_83 : i32
    %add3A_85 = arith.constant 0 : i32
    %add3A_86 = arith.addi %add3A_84, %add3A_85 : i32
    %dma_start3A_87 = arith.constant 0 : i32
    %dma_start3A_88 = arith.constant 0 : i32
    %dma_start3A_89 = tpu.memref_slice %arg8[%dma_start3A_87, %dma_start3A_88] : memref<16x2048xf32, #tpu.memory_space<vmem>> -> memref<8x2048xf32, #tpu.memory_space<vmem>>
    %dma_start3A_90 = arith.constant 0 : i32
    %dma_start3A_91 = tpu.memref_slice %arg4[%add3A_86, %dma_start3A_90] : memref<2048x2048xf32, #tpu.memory_space<hbm>> -> memref<8x2048xf32, #tpu.memory_space<hbm>>
    %dma_start3A_92 = arith.constant 0 : i32
    %dma_start3A_93 = tpu.memref_slice %arg4[%add3A_86, %dma_start3A_92] : memref<2048x2048xf32, #tpu.memory_space<hbm>> -> memref<8x2048xf32, #tpu.memory_space<hbm>>
    %dma_start3A_94 = arith.constant 0 : i32
    %dma_start3A_95 = arith.constant 0 : i32
    %dma_start3A_96 = tpu.memref_slice %arg8[%dma_start3A_94, %dma_start3A_95] : memref<16x2048xf32, #tpu.memory_space<vmem>> -> memref<8x2048xf32, #tpu.memory_space<vmem>>
    tpu.enqueue_dma source(%dma_start3A_96 : memref<8x2048xf32, #tpu.memory_space<vmem>>) target(%dma_start3A_93 : memref<8x2048xf32, #tpu.memory_space<hbm>>) target_semaphore(%arg12 : memref<!tpu.dma_semaphore, #tpu.memory_space<semaphore_mem>>)
    %parallel_loop3A_97 = arith.constant 0 : i32
    %parallel_loop3A_98 = arith.constant 128 : i32
    %parallel_loop3A_99 = arith.constant 1 : i32
    scf.for %parallel_loop3A_224 = %parallel_loop3A_97 to %parallel_loop3A_98 step %parallel_loop3A_99  : i32 {
      %parallel_loop3A_225 = arith.constant 16 : i32
      %parallel_loop3A_226 = arith.muli %parallel_loop3A_224, %parallel_loop3A_225 : i32
      %parallel_loop3A_227 = arith.index_cast %parallel_loop3A_226 : i32 to index
      %parallel_loop3A_228 = tpu.vector_load %arg6[%parallel_loop3A_227] {strides = array<i32>} : memref<2048xf32, #tpu.memory_space<vmem>>, vector<16xf32>,
      %parallel_loop3A_229 = vector.shape_cast %parallel_loop3A_228 : vector<16xf32> to vector<16xf32>
      %parallel_loop3A_230 = arith.constant 16 : i32
      %parallel_loop3A_231 = arith.muli %parallel_loop3A_224, %parallel_loop3A_230 : i32
      %parallel_loop3A_232 = arith.constant 8 : i32
      %parallel_loop3A_233 = arith.index_cast %parallel_loop3A_232 : i32 to index
      %parallel_loop3A_234 = arith.index_cast %parallel_loop3A_231 : i32 to index
      %parallel_loop3A_235 = tpu.vector_load %arg8[%parallel_loop3A_233, %parallel_loop3A_234] {strides = array<i32>} : memref<16x2048xf32, #tpu.memory_space<vmem>>, vector<1x16xf32>,
      %parallel_loop3A_236 = vector.shape_cast %parallel_loop3A_235 : vector<1x16xf32> to vector<16xf32>
      %parallel_loop3A_237 = vector.shape_cast %parallel_loop3A_229 : vector<16xf32> to vector<1x16xf32>
      tpu.vector_store %arg8[%parallel_loop3A_233, %parallel_loop3A_234], %parallel_loop3A_237 {add = true, strides = array<i32>} : memref<16x2048xf32, #tpu.memory_space<vmem>>, vector<1x16xf32>,
      %parallel_loop3A_238 = arith.constant 16 : i32
      %parallel_loop3A_239 = arith.muli %parallel_loop3A_224, %parallel_loop3A_238 : i32
      %parallel_loop3A_240 = arith.constant 9 : i32
      %parallel_loop3A_241 = arith.index_cast %parallel_loop3A_240 : i32 to index
      %parallel_loop3A_242 = arith.index_cast %parallel_loop3A_239 : i32 to index
      %parallel_loop3A_243 = tpu.vector_load %arg8[%parallel_loop3A_241, %parallel_loop3A_242] {strides = array<i32>} : memref<16x2048xf32, #tpu.memory_space<vmem>>, vector<1x16xf32>,
      %parallel_loop3A_244 = vector.shape_cast %parallel_loop3A_243 : vector<1x16xf32> to vector<16xf32>
      %parallel_loop3A_245 = vector.shape_cast %parallel_loop3A_229 : vector<16xf32> to vector<1x16xf32>
      tpu.vector_store %arg8[%parallel_loop3A_241, %parallel_loop3A_242], %parallel_loop3A_245 {add = true, strides = array<i32>} : memref<16x2048xf32, #tpu.memory_space<vmem>>, vector<1x16xf32>,
      %parallel_loop3A_246 = arith.constant 16 : i32
      %parallel_loop3A_247 = arith.muli %parallel_loop3A_224, %parallel_loop3A_246 : i32
      %parallel_loop3A_248 = arith.constant 10 : i32
      %parallel_loop3A_249 = arith.index_cast %parallel_loop3A_248 : i32 to index
      %parallel_loop3A_250 = arith.index_cast %parallel_loop3A_247 : i32 to index
      %parallel_loop3A_251 = tpu.vector_load %arg8[%parallel_loop3A_249, %parallel_loop3A_250] {strides = array<i32>} : memref<16x2048xf32, #tpu.memory_space<vmem>>, vector<1x16xf32>,
      %parallel_loop3A_252 = vector.shape_cast %parallel_loop3A_251 : vector<1x16xf32> to vector<16xf32>
      %parallel_loop3A_253 = vector.shape_cast %parallel_loop3A_229 : vector<16xf32> to vector<1x16xf32>
      tpu.vector_store %arg8[%parallel_loop3A_249, %parallel_loop3A_250], %parallel_loop3A_253 {add = true, strides = array<i32>} : memref<16x2048xf32, #tpu.memory_space<vmem>>, vector<1x16xf32>,
      %parallel_loop3A_254 = arith.constant 16 : i32
      %parallel_loop3A_255 = arith.muli %parallel_loop3A_224, %parallel_loop3A_254 : i32
      %parallel_loop3A_256 = arith.constant 11 : i32
      %parallel_loop3A_257 = arith.index_cast %parallel_loop3A_256 : i32 to index
      %parallel_loop3A_258 = arith.index_cast %parallel_loop3A_255 : i32 to index
      %parallel_loop3A_259 = tpu.vector_load %arg8[%parallel_loop3A_257, %parallel_loop3A_258] {strides = array<i32>} : memref<16x2048xf32, #tpu.memory_space<vmem>>, vector<1x16xf32>,
      %parallel_loop3A_260 = vector.shape_cast %parallel_loop3A_259 : vector<1x16xf32> to vector<16xf32>
      %parallel_loop3A_261 = vector.shape_cast %parallel_loop3A_229 : vector<16xf32> to vector<1x16xf32>
      tpu.vector_store %arg8[%parallel_loop3A_257, %parallel_loop3A_258], %parallel_loop3A_261 {add = true, strides = array<i32>} : memref<16x2048xf32, #tpu.memory_space<vmem>>, vector<1x16xf32>,
      %parallel_loop3A_262 = arith.constant 16 : i32
      %parallel_loop3A_263 = arith.muli %parallel_loop3A_224, %parallel_loop3A_262 : i32
      %parallel_loop3A_264 = arith.constant 12 : i32
      %parallel_loop3A_265 = arith.index_cast %parallel_loop3A_264 : i32 to index
      %parallel_loop3A_266 = arith.index_cast %parallel_loop3A_263 : i32 to index
      %parallel_loop3A_267 = tpu.vector_load %arg8[%parallel_loop3A_265, %parallel_loop3A_266] {strides = array<i32>} : memref<16x2048xf32, #tpu.memory_space<vmem>>, vector<1x16xf32>,
      %parallel_loop3A_268 = vector.shape_cast %parallel_loop3A_267 : vector<1x16xf32> to vector<16xf32>
      %parallel_loop3A_269 = vector.shape_cast %parallel_loop3A_229 : vector<16xf32> to vector<1x16xf32>
      tpu.vector_store %arg8[%parallel_loop3A_265, %parallel_loop3A_266], %parallel_loop3A_269 {add = true, strides = array<i32>} : memref<16x2048xf32, #tpu.memory_space<vmem>>, vector<1x16xf32>,
      %parallel_loop3A_270 = arith.constant 16 : i32
      %parallel_loop3A_271 = arith.muli %parallel_loop3A_224, %parallel_loop3A_270 : i32
      %parallel_loop3A_272 = arith.constant 13 : i32
      %parallel_loop3A_273 = arith.index_cast %parallel_loop3A_272 : i32 to index
      %parallel_loop3A_274 = arith.index_cast %parallel_loop3A_271 : i32 to index
      %parallel_loop3A_275 = tpu.vector_load %arg8[%parallel_loop3A_273, %parallel_loop3A_274] {strides = array<i32>} : memref<16x2048xf32, #tpu.memory_space<vmem>>, vector<1x16xf32>,
      %parallel_loop3A_276 = vector.shape_cast %parallel_loop3A_275 : vector<1x16xf32> to vector<16xf32>
      %parallel_loop3A_277 = vector.shape_cast %parallel_loop3A_229 : vector<16xf32> to vector<1x16xf32>
      tpu.vector_store %arg8[%parallel_loop3A_273, %parallel_loop3A_274], %parallel_loop3A_277 {add = true, strides = array<i32>} : memref<16x2048xf32, #tpu.memory_space<vmem>>, vector<1x16xf32>,
      %parallel_loop3A_278 = arith.constant 16 : i32
      %parallel_loop3A_279 = arith.muli %parallel_loop3A_224, %parallel_loop3A_278 : i32
      %parallel_loop3A_280 = arith.constant 14 : i32
      %parallel_loop3A_281 = arith.index_cast %parallel_loop3A_280 : i32 to index
      %parallel_loop3A_282 = arith.index_cast %parallel_loop3A_279 : i32 to index
      %parallel_loop3A_283 = tpu.vector_load %arg8[%parallel_loop3A_281, %parallel_loop3A_282] {strides = array<i32>} : memref<16x2048xf32, #tpu.memory_space<vmem>>, vector<1x16xf32>,
      %parallel_loop3A_284 = vector.shape_cast %parallel_loop3A_283 : vector<1x16xf32> to vector<16xf32>
      %parallel_loop3A_285 = vector.shape_cast %parallel_loop3A_229 : vector<16xf32> to vector<1x16xf32>
      tpu.vector_store %arg8[%parallel_loop3A_281, %parallel_loop3A_282], %parallel_loop3A_285 {add = true, strides = array<i32>} : memref<16x2048xf32, #tpu.memory_space<vmem>>, vector<1x16xf32>,
      %parallel_loop3A_286 = arith.constant 16 : i32
      %parallel_loop3A_287 = arith.muli %parallel_loop3A_224, %parallel_loop3A_286 : i32
      %parallel_loop3A_288 = arith.constant 15 : i32
      %parallel_loop3A_289 = arith.index_cast %parallel_loop3A_288 : i32 to index
      %parallel_loop3A_290 = arith.index_cast %parallel_loop3A_287 : i32 to index
      %parallel_loop3A_291 = tpu.vector_load %arg8[%parallel_loop3A_289, %parallel_loop3A_290] {strides = array<i32>} : memref<16x2048xf32, #tpu.memory_space<vmem>>, vector<1x16xf32>,
      %parallel_loop3A_292 = vector.shape_cast %parallel_loop3A_291 : vector<1x16xf32> to vector<16xf32>
      %parallel_loop3A_293 = vector.shape_cast %parallel_loop3A_229 : vector<16xf32> to vector<1x16xf32>
      tpu.vector_store %arg8[%parallel_loop3A_289, %parallel_loop3A_290], %parallel_loop3A_293 {add = true, strides = array<i32>} : memref<16x2048xf32, #tpu.memory_space<vmem>>, vector<1x16xf32>,
    } {sc.loop_unroll_factor = 1 : i64, sc.parallel_access}
    %add3A_100 = arith.constant 16 : i32
    %add3A_101 = arith.addi %mul3A_2, %add3A_100 : i32
    %add3A_102 = arith.constant 8 : i32
    %add3A_103 = arith.addi %add3A_101, %add3A_102 : i32
    %dma_start3A_104 = arith.constant 8 : i32
    %dma_start3A_105 = arith.constant 0 : i32
    %dma_start3A_106 = tpu.memref_slice %arg8[%dma_start3A_104, %dma_start3A_105] : memref<16x2048xf32, #tpu.memory_space<vmem>> -> memref<8x2048xf32, #tpu.memory_space<vmem>>
    %dma_start3A_107 = arith.constant 0 : i32
    %dma_start3A_108 = tpu.memref_slice %arg4[%add3A_103, %dma_start3A_107] : memref<2048x2048xf32, #tpu.memory_space<hbm>> -> memref<8x2048xf32, #tpu.memory_space<hbm>>
    %dma_start3A_109 = arith.constant 0 : i32
    %dma_start3A_110 = tpu.memref_slice %arg4[%add3A_103, %dma_start3A_109] : memref<2048x2048xf32, #tpu.memory_space<hbm>> -> memref<8x2048xf32, #tpu.memory_space<hbm>>
    %dma_start3A_111 = arith.constant 8 : i32
    %dma_start3A_112 = arith.constant 0 : i32
    %dma_start3A_113 = tpu.memref_slice %arg8[%dma_start3A_111, %dma_start3A_112] : memref<16x2048xf32, #tpu.memory_space<vmem>> -> memref<8x2048xf32, #tpu.memory_space<vmem>>
    tpu.enqueue_dma source(%dma_start3A_113 : memref<8x2048xf32, #tpu.memory_space<vmem>>) target(%dma_start3A_110 : memref<8x2048xf32, #tpu.memory_space<hbm>>) target_semaphore(%arg12 : memref<!tpu.dma_semaphore, #tpu.memory_space<semaphore_mem>>)
    %add3A_114 = arith.constant 32 : i32
    %add3A_115 = arith.addi %mul3A_2, %add3A_114 : i32
    %get3A_116 = arith.index_cast %add3A_115 : i32 to index
    %get3A_117 = tpu.vector_load %arg5[%get3A_116] {strides = array<i32>} : memref<2048xi32, #tpu.memory_space<vmem>>, vector<16xi32>,
    %get3A_118 = vector.shape_cast %get3A_117 : vector<16xi32> to vector<16xi32>
    %dma_wait3A_119 = arith.constant 0 : i32
    %dma_wait3A_120 = arith.constant 0 : i32
    %dma_wait3A_121 = tpu.memref_slice %arg3[%dma_wait3A_119, %dma_wait3A_120] : memref<8192x2048xf32, #tpu.memory_space<hbm>> -> memref<8192x2048xf32, #tpu.memory_space<hbm>>
    tpu.wait_indirect_dma semaphore(%arg9 : memref<!tpu.dma_semaphore, #tpu.memory_space<semaphore_mem>>) src(%dma_wait3A_121 : memref<8192x2048xf32, #tpu.memory_space<hbm>>) dst(%arg7 : memref<16x2048xf32, #tpu.memory_space<vmem>>)
    %add3A_122 = arith.constant 16 : i32
    %add3A_123 = arith.addi %mul3A_2, %add3A_122 : i32
    %dma_wait3A_124 = arith.constant 0 : i32
    %dma_wait3A_125 = tpu.memref_slice %arg4[%add3A_123, %dma_wait3A_124] : memref<2048x2048xf32, #tpu.memory_space<hbm>> -> memref<16x2048xf32, #tpu.memory_space<hbm>>
    %dma_wait3A_126 = arith.constant 0 : i32
    %dma_wait3A_127 = tpu.memref_slice %arg4[%add3A_123, %dma_wait3A_126] : memref<2048x2048xf32, #tpu.memory_space<hbm>> -> memref<16x2048xf32, #tpu.memory_space<hbm>>
    tpu.wait_dma2 semaphore(%arg12 : memref<!tpu.dma_semaphore, #tpu.memory_space<semaphore_mem>>) src(%arg8 : memref<16x2048xf32, #tpu.memory_space<vmem>>) dst(%dma_wait3A_127 : memref<16x2048xf32, #tpu.memory_space<hbm>>)
    %add3A_128 = arith.constant 48 : i32
    %add3A_129 = arith.addi %mul3A_2, %add3A_128 : i32
    %get3A_130 = arith.index_cast %add3A_129 : i32 to index
    %get3A_131 = tpu.vector_load %arg5[%get3A_130] {strides = array<i32>} : memref<2048xi32, #tpu.memory_space<vmem>>, vector<16xi32>,
    %get3A_132 = vector.shape_cast %get3A_131 : vector<16xi32> to vector<16xi32>
    %dma_start3A_133 = arith.constant 0 : i32
    %dma_start3A_134 = arith.constant 0 : i32
    %dma_start3A_135 = tpu.memref_slice %arg3[%dma_start3A_133, %dma_start3A_134] : memref<8192x2048xf32, #tpu.memory_space<hbm>> -> memref<8192x2048xf32, #tpu.memory_space<hbm>>
    tpu.enqueue_indirect_dma source(%dma_start3A_135 : memref<8192x2048xf32, #tpu.memory_space<hbm>>) target(%arg8 : memref<16x2048xf32, #tpu.memory_space<vmem>>) offsets(%get3A_132 : vector<16xi32>) semaphore(%arg10 : memref<!tpu.dma_semaphore, #tpu.memory_space<semaphore_mem>>)
    %parallel_loop3A_136 = arith.constant 0 : i32
    %parallel_loop3A_137 = arith.constant 128 : i32
    %parallel_loop3A_138 = arith.constant 1 : i32
    scf.for %parallel_loop3A_224 = %parallel_loop3A_136 to %parallel_loop3A_137 step %parallel_loop3A_138  : i32 {
      %parallel_loop3A_225 = arith.constant 16 : i32
      %parallel_loop3A_226 = arith.muli %parallel_loop3A_224, %parallel_loop3A_225 : i32
      %parallel_loop3A_227 = arith.index_cast %parallel_loop3A_226 : i32 to index
      %parallel_loop3A_228 = tpu.vector_load %arg6[%parallel_loop3A_227] {strides = array<i32>} : memref<2048xf32, #tpu.memory_space<vmem>>, vector<16xf32>,
      %parallel_loop3A_229 = vector.shape_cast %parallel_loop3A_228 : vector<16xf32> to vector<16xf32>
      %parallel_loop3A_230 = arith.constant 16 : i32
      %parallel_loop3A_231 = arith.muli %parallel_loop3A_224, %parallel_loop3A_230 : i32
      %parallel_loop3A_232 = arith.constant 0 : i32
      %parallel_loop3A_233 = arith.index_cast %parallel_loop3A_232 : i32 to index
      %parallel_loop3A_234 = arith.index_cast %parallel_loop3A_231 : i32 to index
      %parallel_loop3A_235 = tpu.vector_load %arg7[%parallel_loop3A_233, %parallel_loop3A_234] {strides = array<i32>} : memref<16x2048xf32, #tpu.memory_space<vmem>>, vector<1x16xf32>,
      %parallel_loop3A_236 = vector.shape_cast %parallel_loop3A_235 : vector<1x16xf32> to vector<16xf32>
      %parallel_loop3A_237 = vector.shape_cast %parallel_loop3A_229 : vector<16xf32> to vector<1x16xf32>
      tpu.vector_store %arg7[%parallel_loop3A_233, %parallel_loop3A_234], %parallel_loop3A_237 {add = true, strides = array<i32>} : memref<16x2048xf32, #tpu.memory_space<vmem>>, vector<1x16xf32>,
      %parallel_loop3A_238 = arith.constant 16 : i32
      %parallel_loop3A_239 = arith.muli %parallel_loop3A_224, %parallel_loop3A_238 : i32
      %parallel_loop3A_240 = arith.constant 1 : i32
      %parallel_loop3A_241 = arith.index_cast %parallel_loop3A_240 : i32 to index
      %parallel_loop3A_242 = arith.index_cast %parallel_loop3A_239 : i32 to index
      %parallel_loop3A_243 = tpu.vector_load %arg7[%parallel_loop3A_241, %parallel_loop3A_242] {strides = array<i32>} : memref<16x2048xf32, #tpu.memory_space<vmem>>, vector<1x16xf32>,
      %parallel_loop3A_244 = vector.shape_cast %parallel_loop3A_243 : vector<1x16xf32> to vector<16xf32>
      %parallel_loop3A_245 = vector.shape_cast %parallel_loop3A_229 : vector<16xf32> to vector<1x16xf32>
      tpu.vector_store %arg7[%parallel_loop3A_241, %parallel_loop3A_242], %parallel_loop3A_245 {add = true, strides = array<i32>} : memref<16x2048xf32, #tpu.memory_space<vmem>>, vector<1x16xf32>,
      %parallel_loop3A_246 = arith.constant 16 : i32
      %parallel_loop3A_247 = arith.muli %parallel_loop3A_224, %parallel_loop3A_246 : i32
      %parallel_loop3A_248 = arith.constant 2 : i32
      %parallel_loop3A_249 = arith.index_cast %parallel_loop3A_248 : i32 to index
      %parallel_loop3A_250 = arith.index_cast %parallel_loop3A_247 : i32 to index
      %parallel_loop3A_251 = tpu.vector_load %arg7[%parallel_loop3A_249, %parallel_loop3A_250] {strides = array<i32>} : memref<16x2048xf32, #tpu.memory_space<vmem>>, vector<1x16xf32>,
      %parallel_loop3A_252 = vector.shape_cast %parallel_loop3A_251 : vector<1x16xf32> to vector<16xf32>
      %parallel_loop3A_253 = vector.shape_cast %parallel_loop3A_229 : vector<16xf32> to vector<1x16xf32>
      tpu.vector_store %arg7[%parallel_loop3A_249, %parallel_loop3A_250], %parallel_loop3A_253 {add = true, strides = array<i32>} : memref<16x2048xf32, #tpu.memory_space<vmem>>, vector<1x16xf32>,
      %parallel_loop3A_254 = arith.constant 16 : i32
      %parallel_loop3A_255 = arith.muli %parallel_loop3A_224, %parallel_loop3A_254 : i32
      %parallel_loop3A_256 = arith.constant 3 : i32
      %parallel_loop3A_257 = arith.index_cast %parallel_loop3A_256 : i32 to index
      %parallel_loop3A_258 = arith.index_cast %parallel_loop3A_255 : i32 to index
      %parallel_loop3A_259 = tpu.vector_load %arg7[%parallel_loop3A_257, %parallel_loop3A_258] {strides = array<i32>} : memref<16x2048xf32, #tpu.memory_space<vmem>>, vector<1x16xf32>,
      %parallel_loop3A_260 = vector.shape_cast %parallel_loop3A_259 : vector<1x16xf32> to vector<16xf32>
      %parallel_loop3A_261 = vector.shape_cast %parallel_loop3A_229 : vector<16xf32> to vector<1x16xf32>
      tpu.vector_store %arg7[%parallel_loop3A_257, %parallel_loop3A_258], %parallel_loop3A_261 {add = true, strides = array<i32>} : memref<16x2048xf32, #tpu.memory_space<vmem>>, vector<1x16xf32>,
      %parallel_loop3A_262 = arith.constant 16 : i32
      %parallel_loop3A_263 = arith.muli %parallel_loop3A_224, %parallel_loop3A_262 : i32
      %parallel_loop3A_264 = arith.constant 4 : i32
      %parallel_loop3A_265 = arith.index_cast %parallel_loop3A_264 : i32 to index
      %parallel_loop3A_266 = arith.index_cast %parallel_loop3A_263 : i32 to index
      %parallel_loop3A_267 = tpu.vector_load %arg7[%parallel_loop3A_265, %parallel_loop3A_266] {strides = array<i32>} : memref<16x2048xf32, #tpu.memory_space<vmem>>, vector<1x16xf32>,
      %parallel_loop3A_268 = vector.shape_cast %parallel_loop3A_267 : vector<1x16xf32> to vector<16xf32>
      %parallel_loop3A_269 = vector.shape_cast %parallel_loop3A_229 : vector<16xf32> to vector<1x16xf32>
      tpu.vector_store %arg7[%parallel_loop3A_265, %parallel_loop3A_266], %parallel_loop3A_269 {add = true, strides = array<i32>} : memref<16x2048xf32, #tpu.memory_space<vmem>>, vector<1x16xf32>,
      %parallel_loop3A_270 = arith.constant 16 : i32
      %parallel_loop3A_271 = arith.muli %parallel_loop3A_224, %parallel_loop3A_270 : i32
      %parallel_loop3A_272 = arith.constant 5 : i32
      %parallel_loop3A_273 = arith.index_cast %parallel_loop3A_272 : i32 to index
      %parallel_loop3A_274 = arith.index_cast %parallel_loop3A_271 : i32 to index
      %parallel_loop3A_275 = tpu.vector_load %arg7[%parallel_loop3A_273, %parallel_loop3A_274] {strides = array<i32>} : memref<16x2048xf32, #tpu.memory_space<vmem>>, vector<1x16xf32>,
      %parallel_loop3A_276 = vector.shape_cast %parallel_loop3A_275 : vector<1x16xf32> to vector<16xf32>
      %parallel_loop3A_277 = vector.shape_cast %parallel_loop3A_229 : vector<16xf32> to vector<1x16xf32>
      tpu.vector_store %arg7[%parallel_loop3A_273, %parallel_loop3A_274], %parallel_loop3A_277 {add = true, strides = array<i32>} : memref<16x2048xf32, #tpu.memory_space<vmem>>, vector<1x16xf32>,
      %parallel_loop3A_278 = arith.constant 16 : i32
      %parallel_loop3A_279 = arith.muli %parallel_loop3A_224, %parallel_loop3A_278 : i32
      %parallel_loop3A_280 = arith.constant 6 : i32
      %parallel_loop3A_281 = arith.index_cast %parallel_loop3A_280 : i32 to index
      %parallel_loop3A_282 = arith.index_cast %parallel_loop3A_279 : i32 to index
      %parallel_loop3A_283 = tpu.vector_load %arg7[%parallel_loop3A_281, %parallel_loop3A_282] {strides = array<i32>} : memref<16x2048xf32, #tpu.memory_space<vmem>>, vector<1x16xf32>,
      %parallel_loop3A_284 = vector.shape_cast %parallel_loop3A_283 : vector<1x16xf32> to vector<16xf32>
      %parallel_loop3A_285 = vector.shape_cast %parallel_loop3A_229 : vector<16xf32> to vector<1x16xf32>
      tpu.vector_store %arg7[%parallel_loop3A_281, %parallel_loop3A_282], %parallel_loop3A_285 {add = true, strides = array<i32>} : memref<16x2048xf32, #tpu.memory_space<vmem>>, vector<1x16xf32>,
      %parallel_loop3A_286 = arith.constant 16 : i32
      %parallel_loop3A_287 = arith.muli %parallel_loop3A_224, %parallel_loop3A_286 : i32
      %parallel_loop3A_288 = arith.constant 7 : i32
      %parallel_loop3A_289 = arith.index_cast %parallel_loop3A_288 : i32 to index
      %parallel_loop3A_290 = arith.index_cast %parallel_loop3A_287 : i32 to index
      %parallel_loop3A_291 = tpu.vector_load %arg7[%parallel_loop3A_289, %parallel_loop3A_290] {strides = array<i32>} : memref<16x2048xf32, #tpu.memory_space<vmem>>, vector<1x16xf32>,
      %parallel_loop3A_292 = vector.shape_cast %parallel_loop3A_291 : vector<1x16xf32> to vector<16xf32>
      %parallel_loop3A_293 = vector.shape_cast %parallel_loop3A_229 : vector<16xf32> to vector<1x16xf32>
      tpu.vector_store %arg7[%parallel_loop3A_289, %parallel_loop3A_290], %parallel_loop3A_293 {add = true, strides = array<i32>} : memref<16x2048xf32, #tpu.memory_space<vmem>>, vector<1x16xf32>,
    } {sc.loop_unroll_factor = 1 : i64, sc.parallel_access}
    %add3A_139 = arith.constant 32 : i32
    %add3A_140 = arith.addi %mul3A_2, %add3A_139 : i32
    %add3A_141 = arith.constant 0 : i32
    %add3A_142 = arith.addi %add3A_140, %add3A_141 : i32
    %dma_start3A_143 = arith.constant 0 : i32
    %dma_start3A_144 = arith.constant 0 : i32
    %dma_start3A_145 = tpu.memref_slice %arg7[%dma_start3A_143, %dma_start3A_144] : memref<16x2048xf32, #tpu.memory_space<vmem>> -> memref<8x2048xf32, #tpu.memory_space<vmem>>
    %dma_start3A_146 = arith.constant 0 : i32
    %dma_start3A_147 = tpu.memref_slice %arg4[%add3A_142, %dma_start3A_146] : memref<2048x2048xf32, #tpu.memory_space<hbm>> -> memref<8x2048xf32, #tpu.memory_space<hbm>>
    %dma_start3A_148 = arith.constant 0 : i32
    %dma_start3A_149 = tpu.memref_slice %arg4[%add3A_142, %dma_start3A_148] : memref<2048x2048xf32, #tpu.memory_space<hbm>> -> memref<8x2048xf32, #tpu.memory_space<hbm>>
    %dma_start3A_150 = arith.constant 0 : i32
    %dma_start3A_151 = arith.constant 0 : i32
    %dma_start3A_152 = tpu.memref_slice %arg7[%dma_start3A_150, %dma_start3A_151] : memref<16x2048xf32, #tpu.memory_space<vmem>> -> memref<8x2048xf32, #tpu.memory_space<vmem>>
    tpu.enqueue_dma source(%dma_start3A_152 : memref<8x2048xf32, #tpu.memory_space<vmem>>) target(%dma_start3A_149 : memref<8x2048xf32, #tpu.memory_space<hbm>>) target_semaphore(%arg11 : memref<!tpu.dma_semaphore, #tpu.memory_space<semaphore_mem>>)
    %parallel_loop3A_153 = arith.constant 0 : i32
    %parallel_loop3A_154 = arith.constant 128 : i32
    %parallel_loop3A_155 = arith.constant 1 : i32
    scf.for %parallel_loop3A_224 = %parallel_loop3A_153 to %parallel_loop3A_154 step %parallel_loop3A_155  : i32 {
      %parallel_loop3A_225 = arith.constant 16 : i32
      %parallel_loop3A_226 = arith.muli %parallel_loop3A_224, %parallel_loop3A_225 : i32
      %parallel_loop3A_227 = arith.index_cast %parallel_loop3A_226 : i32 to index
      %parallel_loop3A_228 = tpu.vector_load %arg6[%parallel_loop3A_227] {strides = array<i32>} : memref<2048xf32, #tpu.memory_space<vmem>>, vector<16xf32>,
      %parallel_loop3A_229 = vector.shape_cast %parallel_loop3A_228 : vector<16xf32> to vector<16xf32>
      %parallel_loop3A_230 = arith.constant 16 : i32
      %parallel_loop3A_231 = arith.muli %parallel_loop3A_224, %parallel_loop3A_230 : i32
      %parallel_loop3A_232 = arith.constant 8 : i32
      %parallel_loop3A_233 = arith.index_cast %parallel_loop3A_232 : i32 to index
      %parallel_loop3A_234 = arith.index_cast %parallel_loop3A_231 : i32 to index
      %parallel_loop3A_235 = tpu.vector_load %arg7[%parallel_loop3A_233, %parallel_loop3A_234] {strides = array<i32>} : memref<16x2048xf32, #tpu.memory_space<vmem>>, vector<1x16xf32>,
      %parallel_loop3A_236 = vector.shape_cast %parallel_loop3A_235 : vector<1x16xf32> to vector<16xf32>
      %parallel_loop3A_237 = vector.shape_cast %parallel_loop3A_229 : vector<16xf32> to vector<1x16xf32>
      tpu.vector_store %arg7[%parallel_loop3A_233, %parallel_loop3A_234], %parallel_loop3A_237 {add = true, strides = array<i32>} : memref<16x2048xf32, #tpu.memory_space<vmem>>, vector<1x16xf32>,
      %parallel_loop3A_238 = arith.constant 16 : i32
      %parallel_loop3A_239 = arith.muli %parallel_loop3A_224, %parallel_loop3A_238 : i32
      %parallel_loop3A_240 = arith.constant 9 : i32
      %parallel_loop3A_241 = arith.index_cast %parallel_loop3A_240 : i32 to index
      %parallel_loop3A_242 = arith.index_cast %parallel_loop3A_239 : i32 to index
      %parallel_loop3A_243 = tpu.vector_load %arg7[%parallel_loop3A_241, %parallel_loop3A_242] {strides = array<i32>} : memref<16x2048xf32, #tpu.memory_space<vmem>>, vector<1x16xf32>,
      %parallel_loop3A_244 = vector.shape_cast %parallel_loop3A_243 : vector<1x16xf32> to vector<16xf32>
      %parallel_loop3A_245 = vector.shape_cast %parallel_loop3A_229 : vector<16xf32> to vector<1x16xf32>
      tpu.vector_store %arg7[%parallel_loop3A_241, %parallel_loop3A_242], %parallel_loop3A_245 {add = true, strides = array<i32>} : memref<16x2048xf32, #tpu.memory_space<vmem>>, vector<1x16xf32>,
      %parallel_loop3A_246 = arith.constant 16 : i32
      %parallel_loop3A_247 = arith.muli %parallel_loop3A_224, %parallel_loop3A_246 : i32
      %parallel_loop3A_248 = arith.constant 10 : i32
      %parallel_loop3A_249 = arith.index_cast %parallel_loop3A_248 : i32 to index
      %parallel_loop3A_250 = arith.index_cast %parallel_loop3A_247 : i32 to index
      %parallel_loop3A_251 = tpu.vector_load %arg7[%parallel_loop3A_249, %parallel_loop3A_250] {strides = array<i32>} : memref<16x2048xf32, #tpu.memory_space<vmem>>, vector<1x16xf32>,
      %parallel_loop3A_252 = vector.shape_cast %parallel_loop3A_251 : vector<1x16xf32> to vector<16xf32>
      %parallel_loop3A_253 = vector.shape_cast %parallel_loop3A_229 : vector<16xf32> to vector<1x16xf32>
      tpu.vector_store %arg7[%parallel_loop3A_249, %parallel_loop3A_250], %parallel_loop3A_253 {add = true, strides = array<i32>} : memref<16x2048xf32, #tpu.memory_space<vmem>>, vector<1x16xf32>,
      %parallel_loop3A_254 = arith.constant 16 : i32
      %parallel_loop3A_255 = arith.muli %parallel_loop3A_224, %parallel_loop3A_254 : i32
      %parallel_loop3A_256 = arith.constant 11 : i32
      %parallel_loop3A_257 = arith.index_cast %parallel_loop3A_256 : i32 to index
      %parallel_loop3A_258 = arith.index_cast %parallel_loop3A_255 : i32 to index
      %parallel_loop3A_259 = tpu.vector_load %arg7[%parallel_loop3A_257, %parallel_loop3A_258] {strides = array<i32>} : memref<16x2048xf32, #tpu.memory_space<vmem>>, vector<1x16xf32>,
      %parallel_loop3A_260 = vector.shape_cast %parallel_loop3A_259 : vector<1x16xf32> to vector<16xf32>
      %parallel_loop3A_261 = vector.shape_cast %parallel_loop3A_229 : vector<16xf32> to vector<1x16xf32>
      tpu.vector_store %arg7[%parallel_loop3A_257, %parallel_loop3A_258], %parallel_loop3A_261 {add = true, strides = array<i32>} : memref<16x2048xf32, #tpu.memory_space<vmem>>, vector<1x16xf32>,
      %parallel_loop3A_262 = arith.constant 16 : i32
      %parallel_loop3A_263 = arith.muli %parallel_loop3A_224, %parallel_loop3A_262 : i32
      %parallel_loop3A_264 = arith.constant 12 : i32
      %parallel_loop3A_265 = arith.index_cast %parallel_loop3A_264 : i32 to index
      %parallel_loop3A_266 = arith.index_cast %parallel_loop3A_263 : i32 to index
      %parallel_loop3A_267 = tpu.vector_load %arg7[%parallel_loop3A_265, %parallel_loop3A_266] {strides = array<i32>} : memref<16x2048xf32, #tpu.memory_space<vmem>>, vector<1x16xf32>,
      %parallel_loop3A_268 = vector.shape_cast %parallel_loop3A_267 : vector<1x16xf32> to vector<16xf32>
      %parallel_loop3A_269 = vector.shape_cast %parallel_loop3A_229 : vector<16xf32> to vector<1x16xf32>
      tpu.vector_store %arg7[%parallel_loop3A_265, %parallel_loop3A_266], %parallel_loop3A_269 {add = true, strides = array<i32>} : memref<16x2048xf32, #tpu.memory_space<vmem>>, vector<1x16xf32>,
      %parallel_loop3A_270 = arith.constant 16 : i32
      %parallel_loop3A_271 = arith.muli %parallel_loop3A_224, %parallel_loop3A_270 : i32
      %parallel_loop3A_272 = arith.constant 13 : i32
      %parallel_loop3A_273 = arith.index_cast %parallel_loop3A_272 : i32 to index
      %parallel_loop3A_274 = arith.index_cast %parallel_loop3A_271 : i32 to index
      %parallel_loop3A_275 = tpu.vector_load %arg7[%parallel_loop3A_273, %parallel_loop3A_274] {strides = array<i32>} : memref<16x2048xf32, #tpu.memory_space<vmem>>, vector<1x16xf32>,
      %parallel_loop3A_276 = vector.shape_cast %parallel_loop3A_275 : vector<1x16xf32> to vector<16xf32>
      %parallel_loop3A_277 = vector.shape_cast %parallel_loop3A_229 : vector<16xf32> to vector<1x16xf32>
      tpu.vector_store %arg7[%parallel_loop3A_273, %parallel_loop3A_274], %parallel_loop3A_277 {add = true, strides = array<i32>} : memref<16x2048xf32, #tpu.memory_space<vmem>>, vector<1x16xf32>,
      %parallel_loop3A_278 = arith.constant 16 : i32
      %parallel_loop3A_279 = arith.muli %parallel_loop3A_224, %parallel_loop3A_278 : i32
      %parallel_loop3A_280 = arith.constant 14 : i32
      %parallel_loop3A_281 = arith.index_cast %parallel_loop3A_280 : i32 to index
      %parallel_loop3A_282 = arith.index_cast %parallel_loop3A_279 : i32 to index
      %parallel_loop3A_283 = tpu.vector_load %arg7[%parallel_loop3A_281, %parallel_loop3A_282] {strides = array<i32>} : memref<16x2048xf32, #tpu.memory_space<vmem>>, vector<1x16xf32>,
      %parallel_loop3A_284 = vector.shape_cast %parallel_loop3A_283 : vector<1x16xf32> to vector<16xf32>
      %parallel_loop3A_285 = vector.shape_cast %parallel_loop3A_229 : vector<16xf32> to vector<1x16xf32>
      tpu.vector_store %arg7[%parallel_loop3A_281, %parallel_loop3A_282], %parallel_loop3A_285 {add = true, strides = array<i32>} : memref<16x2048xf32, #tpu.memory_space<vmem>>, vector<1x16xf32>,
      %parallel_loop3A_286 = arith.constant 16 : i32
      %parallel_loop3A_287 = arith.muli %parallel_loop3A_224, %parallel_loop3A_286 : i32
      %parallel_loop3A_288 = arith.constant 15 : i32
      %parallel_loop3A_289 = arith.index_cast %parallel_loop3A_288 : i32 to index
      %parallel_loop3A_290 = arith.index_cast %parallel_loop3A_287 : i32 to index
      %parallel_loop3A_291 = tpu.vector_load %arg7[%parallel_loop3A_289, %parallel_loop3A_290] {strides = array<i32>} : memref<16x2048xf32, #tpu.memory_space<vmem>>, vector<1x16xf32>,
      %parallel_loop3A_292 = vector.shape_cast %parallel_loop3A_291 : vector<1x16xf32> to vector<16xf32>
      %parallel_loop3A_293 = vector.shape_cast %parallel_loop3A_229 : vector<16xf32> to vector<1x16xf32>
      tpu.vector_store %arg7[%parallel_loop3A_289, %parallel_loop3A_290], %parallel_loop3A_293 {add = true, strides = array<i32>} : memref<16x2048xf32, #tpu.memory_space<vmem>>, vector<1x16xf32>,
    } {sc.loop_unroll_factor = 1 : i64, sc.parallel_access}
    %add3A_156 = arith.constant 32 : i32
    %add3A_157 = arith.addi %mul3A_2, %add3A_156 : i32
    %add3A_158 = arith.constant 8 : i32
    %add3A_159 = arith.addi %add3A_157, %add3A_158 : i32
    %dma_start3A_160 = arith.constant 8 : i32
    %dma_start3A_161 = arith.constant 0 : i32
    %dma_start3A_162 = tpu.memref_slice %arg7[%dma_start3A_160, %dma_start3A_161] : memref<16x2048xf32, #tpu.memory_space<vmem>> -> memref<8x2048xf32, #tpu.memory_space<vmem>>
    %dma_start3A_163 = arith.constant 0 : i32
    %dma_start3A_164 = tpu.memref_slice %arg4[%add3A_159, %dma_start3A_163] : memref<2048x2048xf32, #tpu.memory_space<hbm>> -> memref<8x2048xf32, #tpu.memory_space<hbm>>
    %dma_start3A_165 = arith.constant 0 : i32
    %dma_start3A_166 = tpu.memref_slice %arg4[%add3A_159, %dma_start3A_165] : memref<2048x2048xf32, #tpu.memory_space<hbm>> -> memref<8x2048xf32, #tpu.memory_space<hbm>>
    %dma_start3A_167 = arith.constant 8 : i32
    %dma_start3A_168 = arith.constant 0 : i32
    %dma_start3A_169 = tpu.memref_slice %arg7[%dma_start3A_167, %dma_start3A_168] : memref<16x2048xf32, #tpu.memory_space<vmem>> -> memref<8x2048xf32, #tpu.memory_space<vmem>>
    tpu.enqueue_dma source(%dma_start3A_169 : memref<8x2048xf32, #tpu.memory_space<vmem>>) target(%dma_start3A_166 : memref<8x2048xf32, #tpu.memory_space<hbm>>) target_semaphore(%arg11 : memref<!tpu.dma_semaphore, #tpu.memory_space<semaphore_mem>>)
    %add3A_170 = arith.constant 48 : i32
    %add3A_171 = arith.addi %mul3A_2, %add3A_170 : i32
    %get3A_172 = arith.index_cast %add3A_171 : i32 to index
    %get3A_173 = tpu.vector_load %arg5[%get3A_172] {strides = array<i32>} : memref<2048xi32, #tpu.memory_space<vmem>>, vector<16xi32>,
    %get3A_174 = vector.shape_cast %get3A_173 : vector<16xi32> to vector<16xi32>
    %dma_wait3A_175 = arith.constant 0 : i32
    %dma_wait3A_176 = arith.constant 0 : i32
    %dma_wait3A_177 = tpu.memref_slice %arg3[%dma_wait3A_175, %dma_wait3A_176] : memref<8192x2048xf32, #tpu.memory_space<hbm>> -> memref<8192x2048xf32, #tpu.memory_space<hbm>>
    tpu.wait_indirect_dma semaphore(%arg10 : memref<!tpu.dma_semaphore, #tpu.memory_space<semaphore_mem>>) src(%dma_wait3A_177 : memref<8192x2048xf32, #tpu.memory_space<hbm>>) dst(%arg8 : memref<16x2048xf32, #tpu.memory_space<vmem>>)
    %parallel_loop3A_178 = arith.constant 0 : i32
    %parallel_loop3A_179 = arith.constant 128 : i32
    %parallel_loop3A_180 = arith.constant 1 : i32
    scf.for %parallel_loop3A_224 = %parallel_loop3A_178 to %parallel_loop3A_179 step %parallel_loop3A_180  : i32 {
      %parallel_loop3A_225 = arith.constant 16 : i32
      %parallel_loop3A_226 = arith.muli %parallel_loop3A_224, %parallel_loop3A_225 : i32
      %parallel_loop3A_227 = arith.index_cast %parallel_loop3A_226 : i32 to index
      %parallel_loop3A_228 = tpu.vector_load %arg6[%parallel_loop3A_227] {strides = array<i32>} : memref<2048xf32, #tpu.memory_space<vmem>>, vector<16xf32>,
      %parallel_loop3A_229 = vector.shape_cast %parallel_loop3A_228 : vector<16xf32> to vector<16xf32>
      %parallel_loop3A_230 = arith.constant 16 : i32
      %parallel_loop3A_231 = arith.muli %parallel_loop3A_224, %parallel_loop3A_230 : i32
      %parallel_loop3A_232 = arith.constant 0 : i32
      %parallel_loop3A_233 = arith.index_cast %parallel_loop3A_232 : i32 to index
      %parallel_loop3A_234 = arith.index_cast %parallel_loop3A_231 : i32 to index
      %parallel_loop3A_235 = tpu.vector_load %arg8[%parallel_loop3A_233, %parallel_loop3A_234] {strides = array<i32>} : memref<16x2048xf32, #tpu.memory_space<vmem>>, vector<1x16xf32>,
      %parallel_loop3A_236 = vector.shape_cast %parallel_loop3A_235 : vector<1x16xf32> to vector<16xf32>
      %parallel_loop3A_237 = vector.shape_cast %parallel_loop3A_229 : vector<16xf32> to vector<1x16xf32>
      tpu.vector_store %arg8[%parallel_loop3A_233, %parallel_loop3A_234], %parallel_loop3A_237 {add = true, strides = array<i32>} : memref<16x2048xf32, #tpu.memory_space<vmem>>, vector<1x16xf32>,
      %parallel_loop3A_238 = arith.constant 16 : i32
      %parallel_loop3A_239 = arith.muli %parallel_loop3A_224, %parallel_loop3A_238 : i32
      %parallel_loop3A_240 = arith.constant 1 : i32
      %parallel_loop3A_241 = arith.index_cast %parallel_loop3A_240 : i32 to index
      %parallel_loop3A_242 = arith.index_cast %parallel_loop3A_239 : i32 to index
      %parallel_loop3A_243 = tpu.vector_load %arg8[%parallel_loop3A_241, %parallel_loop3A_242] {strides = array<i32>} : memref<16x2048xf32, #tpu.memory_space<vmem>>, vector<1x16xf32>,
      %parallel_loop3A_244 = vector.shape_cast %parallel_loop3A_243 : vector<1x16xf32> to vector<16xf32>
      %parallel_loop3A_245 = vector.shape_cast %parallel_loop3A_229 : vector<16xf32> to vector<1x16xf32>
      tpu.vector_store %arg8[%parallel_loop3A_241, %parallel_loop3A_242], %parallel_loop3A_245 {add = true, strides = array<i32>} : memref<16x2048xf32, #tpu.memory_space<vmem>>, vector<1x16xf32>,
      %parallel_loop3A_246 = arith.constant 16 : i32
      %parallel_loop3A_247 = arith.muli %parallel_loop3A_224, %parallel_loop3A_246 : i32
      %parallel_loop3A_248 = arith.constant 2 : i32
      %parallel_loop3A_249 = arith.index_cast %parallel_loop3A_248 : i32 to index
      %parallel_loop3A_250 = arith.index_cast %parallel_loop3A_247 : i32 to index
      %parallel_loop3A_251 = tpu.vector_load %arg8[%parallel_loop3A_249, %parallel_loop3A_250] {strides = array<i32>} : memref<16x2048xf32, #tpu.memory_space<vmem>>, vector<1x16xf32>,
      %parallel_loop3A_252 = vector.shape_cast %parallel_loop3A_251 : vector<1x16xf32> to vector<16xf32>
      %parallel_loop3A_253 = vector.shape_cast %parallel_loop3A_229 : vector<16xf32> to vector<1x16xf32>
      tpu.vector_store %arg8[%parallel_loop3A_249, %parallel_loop3A_250], %parallel_loop3A_253 {add = true, strides = array<i32>} : memref<16x2048xf32, #tpu.memory_space<vmem>>, vector<1x16xf32>,
      %parallel_loop3A_254 = arith.constant 16 : i32
      %parallel_loop3A_255 = arith.muli %parallel_loop3A_224, %parallel_loop3A_254 : i32
      %parallel_loop3A_256 = arith.constant 3 : i32
      %parallel_loop3A_257 = arith.index_cast %parallel_loop3A_256 : i32 to index
      %parallel_loop3A_258 = arith.index_cast %parallel_loop3A_255 : i32 to index
      %parallel_loop3A_259 = tpu.vector_load %arg8[%parallel_loop3A_257, %parallel_loop3A_258] {strides = array<i32>} : memref<16x2048xf32, #tpu.memory_space<vmem>>, vector<1x16xf32>,
      %parallel_loop3A_260 = vector.shape_cast %parallel_loop3A_259 : vector<1x16xf32> to vector<16xf32>
      %parallel_loop3A_261 = vector.shape_cast %parallel_loop3A_229 : vector<16xf32> to vector<1x16xf32>
      tpu.vector_store %arg8[%parallel_loop3A_257, %parallel_loop3A_258], %parallel_loop3A_261 {add = true, strides = array<i32>} : memref<16x2048xf32, #tpu.memory_space<vmem>>, vector<1x16xf32>,
      %parallel_loop3A_262 = arith.constant 16 : i32
      %parallel_loop3A_263 = arith.muli %parallel_loop3A_224, %parallel_loop3A_262 : i32
      %parallel_loop3A_264 = arith.constant 4 : i32
      %parallel_loop3A_265 = arith.index_cast %parallel_loop3A_264 : i32 to index
      %parallel_loop3A_266 = arith.index_cast %parallel_loop3A_263 : i32 to index
      %parallel_loop3A_267 = tpu.vector_load %arg8[%parallel_loop3A_265, %parallel_loop3A_266] {strides = array<i32>} : memref<16x2048xf32, #tpu.memory_space<vmem>>, vector<1x16xf32>,
      %parallel_loop3A_268 = vector.shape_cast %parallel_loop3A_267 : vector<1x16xf32> to vector<16xf32>
      %parallel_loop3A_269 = vector.shape_cast %parallel_loop3A_229 : vector<16xf32> to vector<1x16xf32>
      tpu.vector_store %arg8[%parallel_loop3A_265, %parallel_loop3A_266], %parallel_loop3A_269 {add = true, strides = array<i32>} : memref<16x2048xf32, #tpu.memory_space<vmem>>, vector<1x16xf32>,
      %parallel_loop3A_270 = arith.constant 16 : i32
      %parallel_loop3A_271 = arith.muli %parallel_loop3A_224, %parallel_loop3A_270 : i32
      %parallel_loop3A_272 = arith.constant 5 : i32
      %parallel_loop3A_273 = arith.index_cast %parallel_loop3A_272 : i32 to index
      %parallel_loop3A_274 = arith.index_cast %parallel_loop3A_271 : i32 to index
      %parallel_loop3A_275 = tpu.vector_load %arg8[%parallel_loop3A_273, %parallel_loop3A_274] {strides = array<i32>} : memref<16x2048xf32, #tpu.memory_space<vmem>>, vector<1x16xf32>,
      %parallel_loop3A_276 = vector.shape_cast %parallel_loop3A_275 : vector<1x16xf32> to vector<16xf32>
      %parallel_loop3A_277 = vector.shape_cast %parallel_loop3A_229 : vector<16xf32> to vector<1x16xf32>
      tpu.vector_store %arg8[%parallel_loop3A_273, %parallel_loop3A_274], %parallel_loop3A_277 {add = true, strides = array<i32>} : memref<16x2048xf32, #tpu.memory_space<vmem>>, vector<1x16xf32>,
      %parallel_loop3A_278 = arith.constant 16 : i32
      %parallel_loop3A_279 = arith.muli %parallel_loop3A_224, %parallel_loop3A_278 : i32
      %parallel_loop3A_280 = arith.constant 6 : i32
      %parallel_loop3A_281 = arith.index_cast %parallel_loop3A_280 : i32 to index
      %parallel_loop3A_282 = arith.index_cast %parallel_loop3A_279 : i32 to index
      %parallel_loop3A_283 = tpu.vector_load %arg8[%parallel_loop3A_281, %parallel_loop3A_282] {strides = array<i32>} : memref<16x2048xf32, #tpu.memory_space<vmem>>, vector<1x16xf32>,
      %parallel_loop3A_284 = vector.shape_cast %parallel_loop3A_283 : vector<1x16xf32> to vector<16xf32>
      %parallel_loop3A_285 = vector.shape_cast %parallel_loop3A_229 : vector<16xf32> to vector<1x16xf32>
      tpu.vector_store %arg8[%parallel_loop3A_281, %parallel_loop3A_282], %parallel_loop3A_285 {add = true, strides = array<i32>} : memref<16x2048xf32, #tpu.memory_space<vmem>>, vector<1x16xf32>,
      %parallel_loop3A_286 = arith.constant 16 : i32
      %parallel_loop3A_287 = arith.muli %parallel_loop3A_224, %parallel_loop3A_286 : i32
      %parallel_loop3A_288 = arith.constant 7 : i32
      %parallel_loop3A_289 = arith.index_cast %parallel_loop3A_288 : i32 to index
      %parallel_loop3A_290 = arith.index_cast %parallel_loop3A_287 : i32 to index
      %parallel_loop3A_291 = tpu.vector_load %arg8[%parallel_loop3A_289, %parallel_loop3A_290] {strides = array<i32>} : memref<16x2048xf32, #tpu.memory_space<vmem>>, vector<1x16xf32>,
      %parallel_loop3A_292 = vector.shape_cast %parallel_loop3A_291 : vector<1x16xf32> to vector<16xf32>
      %parallel_loop3A_293 = vector.shape_cast %parallel_loop3A_229 : vector<16xf32> to vector<1x16xf32>
      tpu.vector_store %arg8[%parallel_loop3A_289, %parallel_loop3A_290], %parallel_loop3A_293 {add = true, strides = array<i32>} : memref<16x2048xf32, #tpu.memory_space<vmem>>, vector<1x16xf32>,
    } {sc.loop_unroll_factor = 1 : i64, sc.parallel_access}
    %add3A_181 = arith.constant 48 : i32
    %add3A_182 = arith.addi %mul3A_2, %add3A_181 : i32
    %add3A_183 = arith.constant 0 : i32
    %add3A_184 = arith.addi %add3A_182, %add3A_183 : i32
    %dma_start3A_185 = arith.constant 0 : i32
    %dma_start3A_186 = arith.constant 0 : i32
    %dma_start3A_187 = tpu.memref_slice %arg8[%dma_start3A_185, %dma_start3A_186] : memref<16x2048xf32, #tpu.memory_space<vmem>> -> memref<8x2048xf32, #tpu.memory_space<vmem>>
    %dma_start3A_188 = arith.constant 0 : i32
    %dma_start3A_189 = tpu.memref_slice %arg4[%add3A_184, %dma_start3A_188] : memref<2048x2048xf32, #tpu.memory_space<hbm>> -> memref<8x2048xf32, #tpu.memory_space<hbm>>
    %dma_start3A_190 = arith.constant 0 : i32
    %dma_start3A_191 = tpu.memref_slice %arg4[%add3A_184, %dma_start3A_190] : memref<2048x2048xf32, #tpu.memory_space<hbm>> -> memref<8x2048xf32, #tpu.memory_space<hbm>>
    %dma_start3A_192 = arith.constant 0 : i32
    %dma_start3A_193 = arith.constant 0 : i32
    %dma_start3A_194 = tpu.memref_slice %arg8[%dma_start3A_192, %dma_start3A_193] : memref<16x2048xf32, #tpu.memory_space<vmem>> -> memref<8x2048xf32, #tpu.memory_space<vmem>>
    tpu.enqueue_dma source(%dma_start3A_194 : memref<8x2048xf32, #tpu.memory_space<vmem>>) target(%dma_start3A_191 : memref<8x2048xf32, #tpu.memory_space<hbm>>) target_semaphore(%arg12 : memref<!tpu.dma_semaphore, #tpu.memory_space<semaphore_mem>>)
    %parallel_loop3A_195 = arith.constant 0 : i32
    %parallel_loop3A_196 = arith.constant 128 : i32
    %parallel_loop3A_197 = arith.constant 1 : i32
    scf.for %parallel_loop3A_224 = %parallel_loop3A_195 to %parallel_loop3A_196 step %parallel_loop3A_197  : i32 {
      %parallel_loop3A_225 = arith.constant 16 : i32
      %parallel_loop3A_226 = arith.muli %parallel_loop3A_224, %parallel_loop3A_225 : i32
      %parallel_loop3A_227 = arith.index_cast %parallel_loop3A_226 : i32 to index
      %parallel_loop3A_228 = tpu.vector_load %arg6[%parallel_loop3A_227] {strides = array<i32>} : memref<2048xf32, #tpu.memory_space<vmem>>, vector<16xf32>,
      %parallel_loop3A_229 = vector.shape_cast %parallel_loop3A_228 : vector<16xf32> to vector<16xf32>
      %parallel_loop3A_230 = arith.constant 16 : i32
      %parallel_loop3A_231 = arith.muli %parallel_loop3A_224, %parallel_loop3A_230 : i32
      %parallel_loop3A_232 = arith.constant 8 : i32
      %parallel_loop3A_233 = arith.index_cast %parallel_loop3A_232 : i32 to index
      %parallel_loop3A_234 = arith.index_cast %parallel_loop3A_231 : i32 to index
      %parallel_loop3A_235 = tpu.vector_load %arg8[%parallel_loop3A_233, %parallel_loop3A_234] {strides = array<i32>} : memref<16x2048xf32, #tpu.memory_space<vmem>>, vector<1x16xf32>,
      %parallel_loop3A_236 = vector.shape_cast %parallel_loop3A_235 : vector<1x16xf32> to vector<16xf32>
      %parallel_loop3A_237 = vector.shape_cast %parallel_loop3A_229 : vector<16xf32> to vector<1x16xf32>
      tpu.vector_store %arg8[%parallel_loop3A_233, %parallel_loop3A_234], %parallel_loop3A_237 {add = true, strides = array<i32>} : memref<16x2048xf32, #tpu.memory_space<vmem>>, vector<1x16xf32>,
      %parallel_loop3A_238 = arith.constant 16 : i32
      %parallel_loop3A_239 = arith.muli %parallel_loop3A_224, %parallel_loop3A_238 : i32
      %parallel_loop3A_240 = arith.constant 9 : i32
      %parallel_loop3A_241 = arith.index_cast %parallel_loop3A_240 : i32 to index
      %parallel_loop3A_242 = arith.index_cast %parallel_loop3A_239 : i32 to index
      %parallel_loop3A_243 = tpu.vector_load %arg8[%parallel_loop3A_241, %parallel_loop3A_242] {strides = array<i32>} : memref<16x2048xf32, #tpu.memory_space<vmem>>, vector<1x16xf32>,
      %parallel_loop3A_244 = vector.shape_cast %parallel_loop3A_243 : vector<1x16xf32> to vector<16xf32>
      %parallel_loop3A_245 = vector.shape_cast %parallel_loop3A_229 : vector<16xf32> to vector<1x16xf32>
      tpu.vector_store %arg8[%parallel_loop3A_241, %parallel_loop3A_242], %parallel_loop3A_245 {add = true, strides = array<i32>} : memref<16x2048xf32, #tpu.memory_space<vmem>>, vector<1x16xf32>,
      %parallel_loop3A_246 = arith.constant 16 : i32
      %parallel_loop3A_247 = arith.muli %parallel_loop3A_224, %parallel_loop3A_246 : i32
      %parallel_loop3A_248 = arith.constant 10 : i32
      %parallel_loop3A_249 = arith.index_cast %parallel_loop3A_248 : i32 to index
      %parallel_loop3A_250 = arith.index_cast %parallel_loop3A_247 : i32 to index
      %parallel_loop3A_251 = tpu.vector_load %arg8[%parallel_loop3A_249, %parallel_loop3A_250] {strides = array<i32>} : memref<16x2048xf32, #tpu.memory_space<vmem>>, vector<1x16xf32>,
      %parallel_loop3A_252 = vector.shape_cast %parallel_loop3A_251 : vector<1x16xf32> to vector<16xf32>
      %parallel_loop3A_253 = vector.shape_cast %parallel_loop3A_229 : vector<16xf32> to vector<1x16xf32>
      tpu.vector_store %arg8[%parallel_loop3A_249, %parallel_loop3A_250], %parallel_loop3A_253 {add = true, strides = array<i32>} : memref<16x2048xf32, #tpu.memory_space<vmem>>, vector<1x16xf32>,
      %parallel_loop3A_254 = arith.constant 16 : i32
      %parallel_loop3A_255 = arith.muli %parallel_loop3A_224, %parallel_loop3A_254 : i32
      %parallel_loop3A_256 = arith.constant 11 : i32
      %parallel_loop3A_257 = arith.index_cast %parallel_loop3A_256 : i32 to index
      %parallel_loop3A_258 = arith.index_cast %parallel_loop3A_255 : i32 to index
      %parallel_loop3A_259 = tpu.vector_load %arg8[%parallel_loop3A_257, %parallel_loop3A_258] {strides = array<i32>} : memref<16x2048xf32, #tpu.memory_space<vmem>>, vector<1x16xf32>,
      %parallel_loop3A_260 = vector.shape_cast %parallel_loop3A_259 : vector<1x16xf32> to vector<16xf32>
      %parallel_loop3A_261 = vector.shape_cast %parallel_loop3A_229 : vector<16xf32> to vector<1x16xf32>
      tpu.vector_store %arg8[%parallel_loop3A_257, %parallel_loop3A_258], %parallel_loop3A_261 {add = true, strides = array<i32>} : memref<16x2048xf32, #tpu.memory_space<vmem>>, vector<1x16xf32>,
      %parallel_loop3A_262 = arith.constant 16 : i32
      %parallel_loop3A_263 = arith.muli %parallel_loop3A_224, %parallel_loop3A_262 : i32
      %parallel_loop3A_264 = arith.constant 12 : i32
      %parallel_loop3A_265 = arith.index_cast %parallel_loop3A_264 : i32 to index
      %parallel_loop3A_266 = arith.index_cast %parallel_loop3A_263 : i32 to index
      %parallel_loop3A_267 = tpu.vector_load %arg8[%parallel_loop3A_265, %parallel_loop3A_266] {strides = array<i32>} : memref<16x2048xf32, #tpu.memory_space<vmem>>, vector<1x16xf32>,
      %parallel_loop3A_268 = vector.shape_cast %parallel_loop3A_267 : vector<1x16xf32> to vector<16xf32>
      %parallel_loop3A_269 = vector.shape_cast %parallel_loop3A_229 : vector<16xf32> to vector<1x16xf32>
      tpu.vector_store %arg8[%parallel_loop3A_265, %parallel_loop3A_266], %parallel_loop3A_269 {add = true, strides = array<i32>} : memref<16x2048xf32, #tpu.memory_space<vmem>>, vector<1x16xf32>,
      %parallel_loop3A_270 = arith.constant 16 : i32
      %parallel_loop3A_271 = arith.muli %parallel_loop3A_224, %parallel_loop3A_270 : i32
      %parallel_loop3A_272 = arith.constant 13 : i32
      %parallel_loop3A_273 = arith.index_cast %parallel_loop3A_272 : i32 to index
      %parallel_loop3A_274 = arith.index_cast %parallel_loop3A_271 : i32 to index
      %parallel_loop3A_275 = tpu.vector_load %arg8[%parallel_loop3A_273, %parallel_loop3A_274] {strides = array<i32>} : memref<16x2048xf32, #tpu.memory_space<vmem>>, vector<1x16xf32>,
      %parallel_loop3A_276 = vector.shape_cast %parallel_loop3A_275 : vector<1x16xf32> to vector<16xf32>
      %parallel_loop3A_277 = vector.shape_cast %parallel_loop3A_229 : vector<16xf32> to vector<1x16xf32>
      tpu.vector_store %arg8[%parallel_loop3A_273, %parallel_loop3A_274], %parallel_loop3A_277 {add = true, strides = array<i32>} : memref<16x2048xf32, #tpu.memory_space<vmem>>, vector<1x16xf32>,
      %parallel_loop3A_278 = arith.constant 16 : i32
      %parallel_loop3A_279 = arith.muli %parallel_loop3A_224, %parallel_loop3A_278 : i32
      %parallel_loop3A_280 = arith.constant 14 : i32
      %parallel_loop3A_281 = arith.index_cast %parallel_loop3A_280 : i32 to index
      %parallel_loop3A_282 = arith.index_cast %parallel_loop3A_279 : i32 to index
      %parallel_loop3A_283 = tpu.vector_load %arg8[%parallel_loop3A_281, %parallel_loop3A_282] {strides = array<i32>} : memref<16x2048xf32, #tpu.memory_space<vmem>>, vector<1x16xf32>,
      %parallel_loop3A_284 = vector.shape_cast %parallel_loop3A_283 : vector<1x16xf32> to vector<16xf32>
      %parallel_loop3A_285 = vector.shape_cast %parallel_loop3A_229 : vector<16xf32> to vector<1x16xf32>
      tpu.vector_store %arg8[%parallel_loop3A_281, %parallel_loop3A_282], %parallel_loop3A_285 {add = true, strides = array<i32>} : memref<16x2048xf32, #tpu.memory_space<vmem>>, vector<1x16xf32>,
      %parallel_loop3A_286 = arith.constant 16 : i32
      %parallel_loop3A_287 = arith.muli %parallel_loop3A_224, %parallel_loop3A_286 : i32
      %parallel_loop3A_288 = arith.constant 15 : i32
      %parallel_loop3A_289 = arith.index_cast %parallel_loop3A_288 : i32 to index
      %parallel_loop3A_290 = arith.index_cast %parallel_loop3A_287 : i32 to index
      %parallel_loop3A_291 = tpu.vector_load %arg8[%parallel_loop3A_289, %parallel_loop3A_290] {strides = array<i32>} : memref<16x2048xf32, #tpu.memory_space<vmem>>, vector<1x16xf32>,
      %parallel_loop3A_292 = vector.shape_cast %parallel_loop3A_291 : vector<1x16xf32> to vector<16xf32>
      %parallel_loop3A_293 = vector.shape_cast %parallel_loop3A_229 : vector<16xf32> to vector<1x16xf32>
      tpu.vector_store %arg8[%parallel_loop3A_289, %parallel_loop3A_290], %parallel_loop3A_293 {add = true, strides = array<i32>} : memref<16x2048xf32, #tpu.memory_space<vmem>>, vector<1x16xf32>,
    } {sc.loop_unroll_factor = 1 : i64, sc.parallel_access}
    %add3A_198 = arith.constant 48 : i32
    %add3A_199 = arith.addi %mul3A_2, %add3A_198 : i32
    %add3A_200 = arith.constant 8 : i32
    %add3A_201 = arith.addi %add3A_199, %add3A_200 : i32
    %dma_start3A_202 = arith.constant 8 : i32
    %dma_start3A_203 = arith.constant 0 : i32
    %dma_start3A_204 = tpu.memref_slice %arg8[%dma_start3A_202, %dma_start3A_203] : memref<16x2048xf32, #tpu.memory_space<vmem>> -> memref<8x2048xf32, #tpu.memory_space<vmem>>
    %dma_start3A_205 = arith.constant 0 : i32
    %dma_start3A_206 = tpu.memref_slice %arg4[%add3A_201, %dma_start3A_205] : memref<2048x2048xf32, #tpu.memory_space<hbm>> -> memref<8x2048xf32, #tpu.memory_space<hbm>>
    %dma_start3A_207 = arith.constant 0 : i32
    %dma_start3A_208 = tpu.memref_slice %arg4[%add3A_201, %dma_start3A_207] : memref<2048x2048xf32, #tpu.memory_space<hbm>> -> memref<8x2048xf32, #tpu.memory_space<hbm>>
    %dma_start3A_209 = arith.constant 8 : i32
    %dma_start3A_210 = arith.constant 0 : i32
    %dma_start3A_211 = tpu.memref_slice %arg8[%dma_start3A_209, %dma_start3A_210] : memref<16x2048xf32, #tpu.memory_space<vmem>> -> memref<8x2048xf32, #tpu.memory_space<vmem>>
    tpu.enqueue_dma source(%dma_start3A_211 : memref<8x2048xf32, #tpu.memory_space<vmem>>) target(%dma_start3A_208 : memref<8x2048xf32, #tpu.memory_space<hbm>>) target_semaphore(%arg12 : memref<!tpu.dma_semaphore, #tpu.memory_space<semaphore_mem>>)
    %add3A_212 = arith.constant 32 : i32
    %add3A_213 = arith.addi %mul3A_2, %add3A_212 : i32
    %dma_wait3A_214 = arith.constant 0 : i32
    %dma_wait3A_215 = tpu.memref_slice %arg4[%add3A_213, %dma_wait3A_214] : memref<2048x2048xf32, #tpu.memory_space<hbm>> -> memref<16x2048xf32, #tpu.memory_space<hbm>>
    %dma_wait3A_216 = arith.constant 0 : i32
    %dma_wait3A_217 = tpu.memref_slice %arg4[%add3A_213, %dma_wait3A_216] : memref<2048x2048xf32, #tpu.memory_space<hbm>> -> memref<16x2048xf32, #tpu.memory_space<hbm>>
    tpu.wait_dma2 semaphore(%arg11 : memref<!tpu.dma_semaphore, #tpu.memory_space<semaphore_mem>>) src(%arg7 : memref<16x2048xf32, #tpu.memory_space<vmem>>) dst(%dma_wait3A_217 : memref<16x2048xf32, #tpu.memory_space<hbm>>)
    %add3A_218 = arith.constant 48 : i32
    %add3A_219 = arith.addi %mul3A_2, %add3A_218 : i32
    %dma_wait3A_220 = arith.constant 0 : i32
    %dma_wait3A_221 = tpu.memref_slice %arg4[%add3A_219, %dma_wait3A_220] : memref<2048x2048xf32, #tpu.memory_space<hbm>> -> memref<16x2048xf32, #tpu.memory_space<hbm>>
    %dma_wait3A_222 = arith.constant 0 : i32
    %dma_wait3A_223 = tpu.memref_slice %arg4[%add3A_219, %dma_wait3A_222] : memref<2048x2048xf32, #tpu.memory_space<hbm>> -> memref<16x2048xf32, #tpu.memory_space<hbm>>
    tpu.wait_dma2 semaphore(%arg12 : memref<!tpu.dma_semaphore, #tpu.memory_space<semaphore_mem>>) src(%arg8 : memref<16x2048xf32, #tpu.memory_space<vmem>>) dst(%dma_wait3A_223 : memref<16x2048xf32, #tpu.memory_space<hbm>>)
    return
  }
}

</mosaic_0001>

<sc_bundles>
// kernel: kernel.3.cloned.1.call-start
scs
__scs_entry_jumppad:
0x0: {  	(pc) =	sbr.rel $0x88, $3  }
0x1: {  	(tag) =	ssettag $0x0;
	lr =	simm.s32 $0x1  }
0x2: {  	[smem:$0x3F9F] =	sst lr;
	_ =	strace $0xD0000000  }
0x3: {  	_ = 	snop  }
0x4: {  	_ = 	snop  }
0x5: {  	_ = 	snop  }
0x6: {  	_ = 	snop  }
0x7: {  	_ = 	snop  }
__scs_overlays_trampoline_lowered:
0x8: {  	[smem:$0x3FAE] =	sst s0  }
0x9: {  	[smem:$0x3FAF] =	sst s1  }
0xa: {  	[smem:$0x3FB0] =	sst s2  }
0xb: {  	[smem:$0x3FB1] =	sst s3  }
0xc: {  	[smem:$0x3FB2] =	sst s4  }
0xd: {  	[smem:$0x3FB3] =	sst s5  }
0xe: {  	[smem:$0x3FB4] =	sst s6  }
0xf: {  	[smem:$0x3FB5] =	sst s7  }
0x10: {  	[smem:$0x3FB6] =	sst s8  }
0x11: {  	[smem:$0x3FB7] =	sst s9;
	s0 =	simm.s32 @!p0 $0x0  }
0x12: {  	s1 =	sld [smem:$0x3F9D];
	s0 =	simm.s32 @p0 $0x1  }
0x13: {  	[smem:$0x3FB8] =	sst s0;
	s0 =	simm.s32 @!p1 $0x0  }
0x14: {  	s2 =	sld [smem:$0x3F9C];
	s0 =	simm.s32 @p1 $0x1  }
0x15: {  	[smem:$0x3FB9] =	sst s0;
	s0 =	simm.s32 @!p2 $0x0  }
0x16: {  	s3 =	sld [smem:$0x3FDB];
	s0 =	simm.s32 @p2 $0x1  }
0x17: {  	s4 =	simm.s32 $0x1BF5;
	[smem:$0x3FBB] =	sst s0  }
0x18: {  	s0 =	sld [smem:$0x3F9E];
	_ =	swait.ge [sflag:s4], $0x0  }
0x19: {  	s7 =	sld [smem:$0x3F9F]  }
0x1a: {  	s8 =	sadd.s32 $0xFFFFE003, lr  }
0x1b: {  	s9 =	sadd.s32 $0xFFFFFEF7, lr;
	s5 =	simm.s32 $0xFFFFFFFF;
	p2 =	slt.u32 s8, $0xFFFFF086  }
0x1c: {  	p1 =	slt.u32 s9, $0xF7A;
	s5 =	simm.s32 @!p2 $0x0  }
0x1d: {  	s5 =	simm.s32 @p1 $0x1;
	p0 =	seq.s32 s7, s2  }
0x1e: {  	s7 =	smul.u32 @!p0 $0xF7A, s2;
	p2 =	seq.s32 @!p0 s5, $0x0  }
0x1f: {  	s9 =	smul.u32 $0xF7A, s1;
	s8 =	simm.s32 @!p0 $0x1BF5;
	p2 =	por !p2, p0  }
0x20: {  	[sflag:s8] =	ssyncset.s32 @!p0 $0xFFFFF086;
	s6 =	sadd.s32 @!p0 s3, s7;
	s7 =	simm.s32 @!p0 $0x108  }
0x21: {  	s3 =	sadd.s32 s3, s9;
	s6 =	sadd.s32 @!p0 $0x88, s6;
	s7 =	simm.s32 @p2 $0x1082  }
0x22: {  	[simem:s7], [sflag:s8] =	dma.local @!p0 [hbm:s6], $0xF7A  }
0x23: {  	s9 =	sor.u32 $0xD0000000, s2;
	s6 =	simm.s32 $0x108;
	_ =	swait.ge @!p0 [sflag:s8], $0x0  }
0x24: {  	s3 =	sadd.s32 $0x88, s3;
	s6 =	simm.s32 @!p1 $0x1082;
	[sflag:s4] =	ssyncset.s32 $0xFFFFF086  }
0x25: {  	[simem:s6], [sflag:s4] =	dma.local [hbm:s3], $0xF7A  }
0x26: {  	[smem:$0x3F9F] =	sst s1;
	(tag) =	ssettag s2;
	_ =	strace s9  }
0x27: {  	s1 =	sld [smem:$0x3FAF]  }
0x28: {  	s2 =	sld [smem:$0x3FB0]  }
0x29: {  	s4 =	sld [smem:$0x3FB2]  }
0x2a: {  	p0 =	seq.s32 s5, $0x0;
	s5 =	sld [smem:$0x3FB3]  }
0x2b: {  	s6 =	sld [smem:$0x3FB4]  }
0x2c: {  	s7 =	sld [smem:$0x3FB5]  }
0x2d: {  	s3 =	simm.s32 $0x108;
	s8 =	sld [smem:$0x3FB6]  }
0x2e: {  	s3 =	simm.s32 @!p0 $0x1082;
	s9 =	sld [smem:$0x3FB7]  }
0x2f: {  	lr =	sadd.s32 s0, s3;
	s0 =	sld [smem:$0x3FAE]  }
0x30: {  	s3 =	sld [smem:$0x3FB1]  }
0x31: {  	[smem:$0x3FBA] =	sst s10  }
0x32: {  	s10 =	sld [smem:$0x3FB8];
	_ =	sdelay $0x3  }
0x33: {  	p0 =	seq.s32 s10, $0x1;
	s10 =	sld [smem:$0x3FBA];
	_ =	sdelay $0x3  }
0x34: {  	[smem:$0x3FBA] =	sst s10  }
0x35: {  	s10 =	sld [smem:$0x3FB9];
	_ =	sdelay $0x3  }
0x36: {  	p1 =	seq.s32 s10, $0x1;
	s10 =	sld [smem:$0x3FBA];
	_ =	sdelay $0x3  }
0x37: {  	[smem:$0x3FBA] =	sst s10  }
0x38: {  	s10 =	sld [smem:$0x3FBB]  }
0x39: {  	_ = 	snop;
	(pc) =	sbr.ind lr, $3  }
0x3a: {  	_ = 	snop  }
0x3b: {  	_ = 	snop  }
0x3c: {  	p2 =	seq.s32 s10, $0x1;
	s10 =	sld [smem:$0x3FBA]  }
0x3d: {  	_ =	shalt  }
0x3e: {  	_ =	shalt  }
0x3f: {  	_ =	shalt  }
0x40: {  	_ =	shalt  }
0x41: {  	_ =	shalt  }
0x42: {  	_ =	shalt  }
0x43: {  	_ =	shalt  }
0x44: {  	_ =	shalt  }
0x45: {  	_ =	shalt  }
0x46: {  	_ =	shalt  }
0x47: {  	_ =	shalt  }
0x48: {  	_ =	shalt  }
0x49: {  	_ =	shalt  }
0x4a: {  	_ =	shalt  }
0x4b: {  	_ =	shalt  }
0x4c: {  	_ =	shalt  }
0x4d: {  	_ =	shalt  }
0x4e: {  	_ =	shalt  }
0x4f: {  	_ =	shalt  }
0x50: {  	_ =	shalt  }
0x51: {  	_ =	shalt  }
0x52: {  	_ =	shalt  }
0x53: {  	_ =	shalt  }
0x54: {  	_ =	shalt  }
0x55: {  	_ =	shalt  }
0x56: {  	_ =	shalt  }
0x57: {  	_ =	shalt  }
0x58: {  	_ =	shalt  }
0x59: {  	_ =	shalt  }
0x5a: {  	_ =	shalt  }
0x5b: {  	_ =	shalt  }
0x5c: {  	_ =	shalt  }
0x5d: {  	_ =	shalt  }
0x5e: {  	_ =	shalt  }
0x5f: {  	_ =	shalt  }
0x60: {  	_ =	shalt  }
0x61: {  	_ =	shalt  }
0x62: {  	_ =	shalt  }
0x63: {  	_ =	shalt  }
0x64: {  	_ =	shalt  }
0x65: {  	_ =	shalt  }
0x66: {  	_ =	shalt  }
0x67: {  	_ =	shalt  }
0x68: {  	_ =	shalt  }
0x69: {  	_ =	shalt  }
0x6a: {  	_ =	shalt  }
0x6b: {  	_ =	shalt  }
0x6c: {  	_ =	shalt  }
0x6d: {  	_ =	shalt  }
0x6e: {  	_ =	shalt  }
0x6f: {  	_ =	shalt  }
0x70: {  	_ =	shalt  }
0x71: {  	_ =	shalt  }
0x72: {  	_ =	shalt  }
0x73: {  	_ =	shalt  }
0x74: {  	_ =	shalt  }
0x75: {  	_ =	shalt  }
0x76: {  	_ =	shalt  }
0x77: {  	_ =	shalt  }
0x78: {  	_ =	shalt  }
0x79: {  	_ =	shalt  }
0x7a: {  	_ =	shalt  }
0x7b: {  	_ =	shalt  }
0x7c: {  	_ =	shalt  }
0x7d: {  	_ =	shalt  }
0x7e: {  	_ =	shalt  }
0x7f: {  	_ =	shalt  }
0x80: {  	_ =	shalt  }
0x81: {  	_ =	shalt  }
0x82: {  	_ =	shalt  }
0x83: {  	_ =	shalt  }
0x84: {  	_ =	shalt  }
0x85: {  	_ =	shalt  }
0x86: {  	_ =	shalt  }
0x87: {  	_ =	shalt  }
.Lfunc_end0:
.L_simem_size_0:
called_computation_lowered:
.L_overlay_start_0:
0x88: {  	s2 =	sld [smem:$0x3FD9]  }
0x89: {  	s3 =	sld [smem:$0x3FFE];
	_ =	sdelay $0x1  }
0x8a: {  	s1 =	srdreg.scid  }
0x8b: {  	s0 =	sand.u32 $0x1, s1  }
0x8c: {  	s18 =	sshll.u32 s0, $0xA;
	s2 =	sadd.s32 s3, s2  }
0x8d: {  	s2 =	sadd.s32 s2, s18  }
0x8e: {  	[smem:$0x3FC6] =	sst s2  }
0x8f: {  	_ = 	snop  }
0x90: {  	s2 =	sld [smem:$0x3FC9]  }
0x91: {  	s19 =	sld [smem:$0x3FC8]  }
0x92: {  	s4 =	sld [smem:$0x3FD0];
	(tm) =	ssettm $0x1  }
0x93: {  	s5 =	sld [smem:$0x3FFB];
	_ =	sdelay $0x3  }
0x94: {  	_ =	strace s5  }
0x95: {  	s5 =	sld [smem:$0x3FFC];
	_ =	sdelay $0x3  }
0x96: {  	_ =	strace s5  }
0x97: {  	s5 =	sld [smem:$0x3FFD];
	_ =	sdelay $0x3  }
0x98: {  	_ =	strace s5  }
0x99: {  	_ =	strace $0x8FFFFFFF  }
0x9a: {  	s20 =	sld [smem:$0x3FDB];
	_ =	sdelay $0x1  }
0x9b: {  	s6 =	simm.s32 $_scs_section_size  }
0x9c: {  	s7 =	simm.s32 $_size__tile_overlayer_lowered;
	s8 =	simm.s32 $_tile_overlayer_lowered  }
0x9d: {  	s23 =	simm.s32 $0x1BFF;
	s22 =	sshll.u32 s8, $0x1;
	s5 =	sadd.s32 s6, s20  }
0x9e: {  	s9 =	simm.s32 $0x0;
	s21 =	sshll.u32 s7, $0x1;
	s7 =	sadd.s32 s22, s5  }
0x9f: {  	[timem:s9], [sflag:s23] =	dma.local [hbm:s7], s21  }
0xa0: {  	_ =	swait.ge [sflag:s23], s21  }
0xa1: {  	s6 =	ssub.s32 $0x0, s21;
	[sflag:s23] =	ssyncset.done $0x0  }
0xa2: {  	[sflag:s23] =	ssyncadd.s32 s6;
	_ =	sdelay $0x1  }
0xa3: {  	s24 =	simm.s32 $0x1B8B  }
0xa4: {  	_ =	swait.ge [sflag:s24], $0x1  }
0xa5: {  	[sflag:s24] =	ssyncset.done $0x0  }
0xa6: {  	s25 =	simm.s32 $0x1B8E;
	[sflag:s24] =	ssyncadd.s32 $0xFFFFFFFF  }
0xa7: {  	s26 =	simm.s32 $execute0_lowered;
	[smem:$0x3FD2] =	sst s25  }
0xa8: {  	s6 =	sshll.u32 s26, $0x1;
	_ =	strace $0x80000046;
	[dreg:$0x1] =	wrdreg $0xFFFFFFFF  }
0xa9: {  	s28 =	simm.s32 $_size_execute0_lowered;
	s5 =	sadd.s32 s5, s6;
	[dreg:$0x0] =	wrdreg $0x0  }
0xaa: {  	s6 =	sshll.u32 s28, $0x1;
	[dreg:$0x2] =	wrdreg s5  }
0xab: {  	[dreg:$0x3] =	wrdreg s6  }
0xac: {  	[dreg:$0x4] =	wrdreg $0xC0  }
0xad: {  	_ =	task [dreg:s9], $0x5FFFF  }
0xae: {  	[dreg:$0x1] =	wrdreg $0xFFFFFFFF  }
0xaf: {  	[dreg:$0x0] =	wrdreg $0x60  }
0xb0: {  	[dreg:$0x2] =	wrdreg s2  }
0xb1: {  	[dreg:$0x3] =	wrdreg s19  }
0xb2: {  	[dreg:$0x4] =	wrdreg s4  }
0xb3: {  	[dreg:$0x5] =	wrdreg $0x9  }
0xb4: {  	_ =	task.clear_ibuf [dreg:s9], $0x6FFFF;
	_ =	strace $0x90000046  }
0xb5: {  	s29 =	simm.s32 $0x9;
	_ =	strace $0x80000048  }
0xb6: {  	_ =	swait.ge [sflag:s29], $0x1  }
0xb7: {  	[sflag:s29] =	ssyncadd.s32 $0xFFFFFFFF  }
0xb8: {  	_ =	strace $0x90000048  }
0xb9: {  	_ =	sfence  }
0xba: {  	s30 =	sld [smem:$0x0];
	_ =	sdelay $0x2  }
0xbb: {  	s31 =	sshll.u32 s1, $0xD;
	s1 =	sshrl.u32 s1, $0x2  }
0xbc: {  	s3 =	sand.u32 $0x4000, s31;
	s1 =	sadd.s32 s1, s30  }
0xbd: {  	s0 =	sor.u32 s3, s0;
	s1 =	sshll.u32 s1, $0x11  }
0xbe: {  	s0 =	sor.u32 s1, s0  }
0xbf: {  	s0 =	sadd.s32 $0x8F2B, s0  }
0xc0: {  	[sflag:s0] =	ssyncadd.remote.s32 $0x1  }
0xc1: {  	_ =	sfence.sel $0xFFFF  }
0xc2: {  	[dreg:$0x0] =	wrdreg $0xFFFFFFFF;
	(pc) =	sbr.abs _section_cstart, $3  }
0xc3: {  	[dreg:$0x1] =	wrdreg $0xFFFFFFFF  }
0xc4: {  	_ =	task.clear_ibuf [dreg:s9], $0x2FFFF;
	_ =	strace $0x9FFFFFFF  }
0xc5: {  	(tm) =	ssettm $0x7FFFFFFF  }
tec
execute0_lowered:
.L_overlay_start_1:
0x0: {  	(tag) =	ssettag $0x1  }
0x1: {  	s2 =	rddreg [dreg:$0x1]  }
0x2: {  	s0 =	rddreg [dreg:$0x2]  }
0x3: {  	s3 =	simm.s32 $0x0;
	s1 =	srdreg.scid;
	s6 =	stileid.u32  }
0x4: {  	s21 =	simm.s32 $0x9000;
	s29 =	simm.s32 $0xD000;
	s16 =	simm.s32 $0x10800  }
0x5: {  	s18 =	simm.s32 $0x0;
	[smem:$0x7FF] =	sst s3;
	s1 =	sand.u32 $0x1, s1  }
0x6: {  	s6 =	sshll.u32 s6, $0x7;
	s7 =	sadd.s32 $0x200, s2;
	s8 =	sadd.s32 $0x300, s2  }
0x7: {  	s9 =	sadd.s32 $0x400, s2;
	s10 =	sadd.s32 $0x500, s2;
	s4 =	ssub.s32 $0x2, s1  }
0x8: {  	s11 =	sadd.s32 $0x600, s2;
	s1 =	sshll.u32 s1, $0x6;
	s5 =	sshrl.u32 s4, $0x1  }
0x9: {  	s12 =	sadd.s32 $0x700, s2;
	s4 =	ssub.s32 s4, s5;
	s5 =	sor.u32 s1, s6  }
0xa: {  	_ =	strace $0x80000047;
	s6 =	sadd.s32 $0x100, s2;
	s13 =	sor.u32 $0x10, s5  }
0xb: {  	s1 =	sshll.u32 s5, $0x8;
	s15 =	sor.u32 $0x20, s5;
	[dreg:$0x4] =	wrdreg s13  }
0xc: {  	s23 =	sor.u32 $0x30, s5;
	s31 =	smax.u32 s4, $0x1;
	[dreg:$0x6] =	wrdreg s15  }
0xd: {  	s14 =	sadd.s32 s0, s1;
	s22 =	sshll.u32 s13, $0x8;
	[dreg:$0x8] =	wrdreg s23  }
0xe: {  	s24 =	sshll.u32 s15, $0x8;
	[dreg:$0xe] =	wrdreg s31;
	s1 =	sadd.s32 $0x800, s14  }
0xf: {  	s26 =	sshll.u32 s23, $0x8;
	s25 =	sadd.s32 $0x1800, s14;
	[dreg:$0x5] =	wrdreg s1  }
0x10: {  	s15 =	simm.s32 $0x5000;
	s28 =	sadd.s32 $0x2800, s14;
	[dreg:$0x9] =	wrdreg s25  }
0x11: {  	s23 =	simm.s32 $0x4;
	s30 =	sadd.s32 $0x3800, s14;
	[dreg:$0xb] =	wrdreg s28  }
0x12: {  	s1 =	sadd.s32 s0, s22;
	[dreg:$0xd] =	wrdreg s30;
	s25 =	simm.s32 $0x5  }
0x13: {  	v2 =	vlaneseq.u32;
	s22 =	simm.s32 $0x2;
	[dreg:$0x7] =	wrdreg s1;
	s1 =	sadd.s32 s0, s24  }
0x14: {  	vm0 =	vmmov $0xffff;
	v1 =	vshrl.u32 v2, $0x3;
	s0 =	sadd.s32 s0, s26;
	s26 =	simm.s32 $0x1000;
	[dreg:$0xa] =	wrdreg s1  }
0x15: {  	v0 =	vand.u32 $0x7, v2;
	v2 =	vor.u32 $0x8, v2;
	v1 =	vmul.u32 $0x8, v1;
	[dreg:$0xc] =	wrdreg s0;
	s0 =	simm.s32 $0x1;
	s1 =	simm.s32 $0x3  }
.LBB2_1:
0x16: {  	s4 =	rddreg [dreg:$0x0]  }
0x17: {  	[tilespmem:s3], [sflag:$0x5] =	stream.linear.gather [hbm4b:s4+s3], $0x800, $0x38;
	[tilespmem:$0x11000] =	vst v63  }
0x18: {  	_ =	swait.ge [sflag:s25], $0x800  }
0x19: {  	[sflag:s25] =	ssyncset.done $0x0  }
0x1a: {  	[sflag:s25] =	ssyncadd.s32 $0xFFFFF800  }
0x1b: {  	v3 =	vld [tilespmem:s5+$0x0];
	_ =	sdelay $0x4  }
0x1c: {  	v4 =	vshll.u32 v3, $0x4  }
0x1d: {  	v3 =	vand.u32 $0x7, v3;
	v4 =	vand.u32 $0xFFFFFF80, v4  }
0x1e: {  	v3 =	vor.u32 v3, v4  }
0x1f: {  	v4 =	vperm.xlane v3, v0;
	_ =	sdelay $0x1  }
0x20: {  	v4 =	vadd.s32 v1, v4;
	_ =	sdelay $0x4  }
0x21: {  	[tilespmem:s26], [sflag:$0x1] =	stream.indirect_vreg.gather [hbm4b:s2+s3], $0x80, v4, vm0, $0xb8;
	[tilespmem:$0x11000] =	vst v63  }
0x22: {  	s19 =	simm.s32 $0x1800  }
0x23: {  	[tilespmem:s19], [sflag:$0x1] =	stream.indirect_vreg.gather [hbm4b:s6+s3], $0x80, v4, vm0, $0xb8;
	[tilespmem:$0x11000] =	vst v63  }
0x24: {  	s20 =	simm.s32 $0x2000  }
0x25: {  	[tilespmem:s20], [sflag:$0x1] =	stream.indirect_vreg.gather [hbm4b:s7+s3], $0x80, v4, vm0, $0xb8;
	[tilespmem:$0x11000] =	vst v63  }
0x26: {  	s24 =	simm.s32 $0x2800  }
0x27: {  	[tilespmem:s24], [sflag:$0x1] =	stream.indirect_vreg.gather [hbm4b:s8+s3], $0x80, v4, vm0, $0xb8;
	[tilespmem:$0x11000] =	vst v63  }
0x28: {  	s28 =	simm.s32 $0x3000  }
0x29: {  	[tilespmem:s28], [sflag:$0x1] =	stream.indirect_vreg.gather [hbm4b:s9+s3], $0x80, v4, vm0, $0xb8;
	[tilespmem:$0x11000] =	vst v63  }
0x2a: {  	s30 =	simm.s32 $0x3800;
	v3 =	vperm.xlane v3, v2  }
0x2b: {  	[tilespmem:s30], [sflag:$0x1] =	stream.indirect_vreg.gather [hbm4b:s10+s3], $0x80, v4, vm0, $0xb8;
	[tilespmem:$0x11000] =	vst v63  }
0x2c: {  	s31 =	simm.s32 $0x4000;
	v3 =	vadd.s32 v1, v3  }
0x2d: {  	[tilespmem:s31], [sflag:$0x1] =	stream.indirect_vreg.gather [hbm4b:s11+s3], $0x80, v4, vm0, $0xb8;
	[tilespmem:$0x11000] =	vst v63  }
0x2e: {  	s13 =	simm.s32 $0x4800  }
0x2f: {  	[tilespmem:s13], [sflag:$0x1] =	stream.indirect_vreg.gather [hbm4b:s12+s3], $0x80, v4, vm0, $0xb8;
	[tilespmem:$0x11000] =	vst v63  }
0x30: {  	_ = 	snop  }
0x31: {  	[tilespmem:s15], [sflag:$0x1] =	stream.indirect_vreg.gather [hbm4b:s2+s3], $0x80, v3, vm0, $0xb8;
	[tilespmem:$0x11000] =	vst v63  }
0x32: {  	s17 =	simm.s32 $0x5800  }
0x33: {  	[tilespmem:s17], [sflag:$0x1] =	stream.indirect_vreg.gather [hbm4b:s6+s3], $0x80, v3, vm0, $0xb8;
	[tilespmem:$0x11000] =	vst v63  }
0x34: {  	s19 =	simm.s32 $0x6000  }
0x35: {  	[tilespmem:s19], [sflag:$0x1] =	stream.indirect_vreg.gather [hbm4b:s7+s3], $0x80, v3, vm0, $0xb8;
	[tilespmem:$0x11000] =	vst v63  }
0x36: {  	s20 =	simm.s32 $0x6800  }
0x37: {  	[tilespmem:s20], [sflag:$0x1] =	stream.indirect_vreg.gather [hbm4b:s8+s3], $0x80, v3, vm0, $0xb8;
	[tilespmem:$0x11000] =	vst v63  }
0x38: {  	s24 =	simm.s32 $0x7000  }
0x39: {  	[tilespmem:s24], [sflag:$0x1] =	stream.indirect_vreg.gather [hbm4b:s9+s3], $0x80, v3, vm0, $0xb8;
	[tilespmem:$0x11000] =	vst v63  }
0x3a: {  	s28 =	simm.s32 $0x7800  }
0x3b: {  	[tilespmem:s28], [sflag:$0x1] =	stream.indirect_vreg.gather [hbm4b:s10+s3], $0x80, v3, vm0, $0xb8;
	[tilespmem:$0x11000] =	vst v63  }
0x3c: {  	s30 =	simm.s32 $0x8000  }
0x3d: {  	[tilespmem:s30], [sflag:$0x1] =	stream.indirect_vreg.gather [hbm4b:s11+s3], $0x80, v3, vm0, $0xb8;
	[tilespmem:$0x11000] =	vst v63  }
0x3e: {  	s31 =	simm.s32 $0x8800;
	s17 =	simm.s32 $0x0  }
0x3f: {  	[tilespmem:s31], [sflag:$0x1] =	stream.indirect_vreg.gather [hbm4b:s12+s3], $0x80, v3, vm0, $0xb8;
	[tilespmem:$0x11000] =	vst v63  }
0x40: {  	v3 =	vld [tilespmem:s17+$0x0]  }
0x41: {  	s19 =	simm.s32 $0x40  }
.LBB2_2:
0x42: {  	p0 =	sne.s32 s19, $0x1FC0  }
.Ltmp0:
0x43: {  	_ = 	snop;
	(pc) =	sbr.rel @p0 .LBB2_2-.Ltmp0, $4  }
0x44: {  	_ = 	snop  }
0x45: {  	s20 =	sshra.s32 s19, $0x2;
	s19 =	sadd.s32 $0x40, s19;
	v4 =	vcvt.s32.f32 v3  }
0x46: {  	v3 =	vld [tilespmem:s20+$0x0]  }
0x47: {  	[tilespmem:s17+$0x800] =	vst v4;
	s17 =	smov.u32 s20  }
0x48: {  	_ =	sdelay $0x2  }
0x49: {  	v3 =	vcvt.s32.f32 v3;
	_ =	sdelay $0x1  }
0x4a: {  	[tilespmem:s17+$0x800] =	vst v3  }
0x4b: {  	_ =	swait.ge [sflag:s0], $0x8000  }
0x4c: {  	[sflag:s0] =	ssyncset.done $0x0  }
0x4d: {  	s4 =	rddreg [dreg:$0x4];
	[sflag:s0] =	ssyncadd.s32 $0xFFFF8000  }
0x4e: {  	v3 =	vld [tilespmem:s4+$0x0];
	_ =	sdelay $0x4  }
0x4f: {  	v4 =	vshll.u32 v3, $0x4  }
0x50: {  	v3 =	vand.u32 $0x7, v3;
	v4 =	vand.u32 $0xFFFFFF80, v4  }
0x51: {  	v3 =	vor.u32 v3, v4  }
0x52: {  	v4 =	vperm.xlane v3, v0;
	_ =	sdelay $0x1  }
0x53: {  	v4 =	vadd.s32 v1, v4;
	_ =	sdelay $0x3  }
0x54: {  	s24 =	simm.s32 $0x0  }
0x55: {  	[tilespmem:s21], [sflag:$0x2] =	stream.indirect_vreg.gather [hbm4b:s2+s24], $0x80, v4, vm0, $0xb8;
	[tilespmem:$0x11000] =	vst v63  }
0x56: {  	s13 =	simm.s32 $0x9800  }
0x57: {  	[tilespmem:s13], [sflag:$0x2] =	stream.indirect_vreg.gather [hbm4b:s6+s24], $0x80, v4, vm0, $0xb8;
	[tilespmem:$0x11000] =	vst v63  }
0x58: {  	s17 =	simm.s32 $0xA000  }
0x59: {  	[tilespmem:s17], [sflag:$0x2] =	stream.indirect_vreg.gather [hbm4b:s7+s24], $0x80, v4, vm0, $0xb8;
	[tilespmem:$0x11000] =	vst v63  }
0x5a: {  	s19 =	simm.s32 $0xA800  }
0x5b: {  	[tilespmem:s19], [sflag:$0x2] =	stream.indirect_vreg.gather [hbm4b:s8+s24], $0x80, v4, vm0, $0xb8;
	[tilespmem:$0x11000] =	vst v63  }
0x5c: {  	s20 =	simm.s32 $0xB000  }
0x5d: {  	[tilespmem:s20], [sflag:$0x2] =	stream.indirect_vreg.gather [hbm4b:s9+s24], $0x80, v4, vm0, $0xb8;
	[tilespmem:$0x11000] =	vst v63  }
0x5e: {  	s31 =	simm.s32 $0xB800;
	v3 =	vperm.xlane v3, v2  }
0x5f: {  	[tilespmem:s31], [sflag:$0x2] =	stream.indirect_vreg.gather [hbm4b:s10+s24], $0x80, v4, vm0, $0xb8;
	[tilespmem:$0x11000] =	vst v63  }
0x60: {  	v3 =	vadd.s32 v1, v3;
	s13 =	simm.s32 $0xC000  }
0x61: {  	[tilespmem:s13], [sflag:$0x2] =	stream.indirect_vreg.gather [hbm4b:s11+s24], $0x80, v4, vm0, $0xb8;
	[tilespmem:$0x11000] =	vst v63  }
0x62: {  	s17 =	simm.s32 $0xC800  }
0x63: {  	[tilespmem:s17], [sflag:$0x2] =	stream.indirect_vreg.gather [hbm4b:s12+s24], $0x80, v4, vm0, $0xb8;
	[tilespmem:$0x11000] =	vst v63  }
0x64: {  	_ = 	snop  }
0x65: {  	[tilespmem:s29], [sflag:$0x2] =	stream.indirect_vreg.gather [hbm4b:s2+s24], $0x80, v3, vm0, $0xb8;
	[tilespmem:$0x11000] =	vst v63  }
0x66: {  	s19 =	simm.s32 $0xD800  }
0x67: {  	[tilespmem:s19], [sflag:$0x2] =	stream.indirect_vreg.gather [hbm4b:s6+s24], $0x80, v3, vm0, $0xb8;
	[tilespmem:$0x11000] =	vst v63  }
0x68: {  	s20 =	simm.s32 $0xE000  }
0x69: {  	[tilespmem:s20], [sflag:$0x2] =	stream.indirect_vreg.gather [hbm4b:s7+s24], $0x80, v3, vm0, $0xb8;
	[tilespmem:$0x11000] =	vst v63  }
0x6a: {  	s31 =	simm.s32 $0xE800  }
0x6b: {  	[tilespmem:s31], [sflag:$0x2] =	stream.indirect_vreg.gather [hbm4b:s8+s24], $0x80, v3, vm0, $0xb8;
	[tilespmem:$0x11000] =	vst v63  }
0x6c: {  	s13 =	simm.s32 $0xF000  }
0x6d: {  	[tilespmem:s13], [sflag:$0x2] =	stream.indirect_vreg.gather [hbm4b:s9+s24], $0x80, v3, vm0, $0xb8;
	[tilespmem:$0x11000] =	vst v63  }
0x6e: {  	s17 =	simm.s32 $0xF800  }
0x6f: {  	[tilespmem:s17], [sflag:$0x2] =	stream.indirect_vreg.gather [hbm4b:s10+s24], $0x80, v3, vm0, $0xb8;
	[tilespmem:$0x11000] =	vst v63  }
0x70: {  	s19 =	simm.s32 $0x10000  }
0x71: {  	[tilespmem:s19], [sflag:$0x2] =	stream.indirect_vreg.gather [hbm4b:s11+s24], $0x80, v3, vm0, $0xb8;
	[tilespmem:$0x11000] =	vst v63  }
0x72: {  	s20 =	simm.s32 $0x800  }
0x73: {  	[tilespmem:s16], [sflag:$0x2] =	stream.indirect_vreg.gather [hbm4b:s12+s24], $0x80, v3, vm0, $0xb8;
	[tilespmem:$0x11000] =	vst v63  }
0x74: {  	v3 =	vld [tilespmem:s20+$0x0];
	_ =	sdelay $0x2  }
0x75: {  	s31 =	sand.u32 $0x70, s24;
	s19 =	sand.u32 $0x3C00, s24  }
0x76: {  	s17 =	sor.u32 s31, s19;
	s20 =	sand.u32 $0x7, s24  }
0x77: {  	s30 =	simm.s32 $0x810;
	s20 =	sshll.u32 s20, $0x4;
	[tilespmem:s17+$0x1280] =	vst.add.f32.msk $0xffff, v3  }
0x78: {  	s19 =	simm.s32 $0x10;
	s28 =	sadd.s32 $0x0, s20;
	s20 =	simm.s32 $0x0;
	[tilespmem:s17+$0x1300] =	vst.add.f32.msk $0xffff, v3  }
.LBB2_4:
0x79: {  	v4 =	vld [tilespmem:s30+$0x0];
	p0 =	sne.s32 s19, $0x7F0;
	s24 =	sadd.s32 $0x80, s24;
	s20 =	sadd.s32 $0x1, s20  }
0x7a: {  	s13 =	smov.u32 s19;
	s19 =	sadd.s32 $0x10, s19;
	s31 =	sand.u32 $0x7, s20;
	[tilespmem:s17+$0x1000] =	vst.add.f32.msk $0xffff, v3  }
0x7b: {  	s31 =	sshll.u32 s31, $0x4;
	[tilespmem:s17+$0x1080] =	vst.add.f32.msk $0xffff, v3  }
0x7c: {  	s31 =	sadd.s32 s31, s24;
	[tilespmem:s17+$0x1100] =	vst.add.f32.msk $0xffff, v3  }
.Ltmp1:
0x7d: {  	s4 =	sor.u32 $0x380, s28;
	[tilespmem:s17+$0x1180] =	vst.add.f32.msk $0xffff, v3;
	s28 =	smov.u32 s31;
	(pc) =	sbr.rel @p0 .LBB2_4-.Ltmp1, $4  }
0x7e: {  	s13 =	sand.u32 $0x70, s13;
	s31 =	sand.u32 $0x3C00, s24;
	[tilespmem:s17+$0x1200] =	vst.add.f32.msk $0xffff, v3  }
0x7f: {  	s17 =	sor.u32 s13, s31;
	[tilespmem:s4+$0x1000] =	vst.add.f32.msk $0xffff, v3;
	v3 =	vmov v4  }
0x80: {  	[tilespmem:s17+$0x1280] =	vst.add.f32.msk $0xffff, v3  }
0x81: {  	s30 =	sadd.s32 $0x10, s30;
	[tilespmem:s17+$0x1300] =	vst.add.f32.msk $0xffff, v3  }
0x82: {  	[tilespmem:s17+$0x1000] =	vst.add.f32.msk $0xffff, v3  }
0x83: {  	[tilespmem:s17+$0x1080] =	vst.add.f32.msk $0xffff, v3  }
0x84: {  	[tilespmem:s17+$0x1100] =	vst.add.f32.msk $0xffff, v3  }
0x85: {  	[tilespmem:s17+$0x1180] =	vst.add.f32.msk $0xffff, v3  }
0x86: {  	s4 =	sor.u32 $0x380, s28;
	[tilespmem:s17+$0x1200] =	vst.add.f32.msk $0xffff, v3  }
0x87: {  	s17 =	simm.s32 $0x0;
	s30 =	simm.s32 $0x800;
	[tilespmem:s4+$0x1000] =	vst.add.f32.msk $0xffff, v3  }
0x88: {  	[hbm4b:s14+s17] =	stream.linear.scatter [tilespmem:s26], [sflag:$0x3], $0x4000, $0x38;
	[tilespmem:$0x11000] =	vst v63  }
0x89: {  	v3 =	vld [tilespmem:s30+$0x0];
	_ =	sdelay $0x2  }
0x8a: {  	s20 =	simm.s32 $0x810;
	s31 =	sand.u32 $0x70, s17;
	s13 =	sand.u32 $0x3C00, s17  }
0x8b: {  	s24 =	sor.u32 s31, s13;
	v4 =	vld [tilespmem:s20+$0x0]  }
0x8c: {  	[tilespmem:s24+$0x5380] =	vst.add.f32.msk $0xffff, v3  }
0x8d: {  	[tilespmem:s24+$0x5000] =	vst.add.f32.msk $0xffff, v3  }
0x8e: {  	[tilespmem:s24+$0x5080] =	vst.add.f32.msk $0xffff, v3  }
0x8f: {  	s19 =	simm.s32 $0x10;
	s28 =	simm.s32 $0x20;
	[tilespmem:s24+$0x5100] =	vst.add.f32.msk $0xffff, v3  }
.LBB2_6:
0x90: {  	p0 =	sne.s32 s28, $0x7F0;
	[tilespmem:s24+$0x5180] =	vst.add.f32.msk $0xffff, v3  }
0x91: {  	s17 =	sadd.s32 $0x80, s17;
	[tilespmem:s24+$0x5200] =	vst.add.f32.msk $0xffff, v3  }
0x92: {  	s4 =	sand.u32 $0x70, s19;
	s19 =	smov.u32 s28;
	s13 =	sand.u32 $0x3C00, s17;
	[tilespmem:s24+$0x5280] =	vst.add.f32.msk $0xffff, v3  }
0x93: {  	[tilespmem:s24+$0x5300] =	vst.add.f32.msk $0xffff, v3;
	s24 =	sor.u32 s4, s13  }
.Ltmp2:
0x94: {  	[tilespmem:s24+$0x5380] =	vst.add.f32.msk $0xffff, v4;
	v3 =	vmov v4;
	(pc) =	sbr.rel @p0 .LBB2_6-.Ltmp2, $4  }
0x95: {  	[tilespmem:s24+$0x5000] =	vst.add.f32.msk $0xffff, v3  }
0x96: {  	[tilespmem:s24+$0x5080] =	vst.add.f32.msk $0xffff, v3  }
0x97: {  	s20 =	sadd.s32 $0x10, s20;
	[tilespmem:s24+$0x5100] =	vst.add.f32.msk $0xffff, v3  }
0x98: {  	s28 =	sadd.s32 $0x10, s28;
	v4 =	vld [tilespmem:s20+$0x0]  }
0x99: {  	[tilespmem:s24+$0x5180] =	vst.add.f32.msk $0xffff, v3  }
0x9a: {  	[tilespmem:s24+$0x5200] =	vst.add.f32.msk $0xffff, v3;
	s4 =	sadd.s32 $0x80, s17  }
0x9b: {  	s13 =	sand.u32 $0x70, s19;
	[tilespmem:s24+$0x5280] =	vst.add.f32.msk $0xffff, v3;
	s4 =	sand.u32 $0x3C00, s4  }
0x9c: {  	[tilespmem:s24+$0x5300] =	vst.add.f32.msk $0xffff, v3;
	s4 =	sor.u32 s13, s4  }
0x9d: {  	[tilespmem:s4+$0x5380] =	vst.add.f32.msk $0xffff, v4  }
0x9e: {  	[tilespmem:s4+$0x5000] =	vst.add.f32.msk $0xffff, v4  }
0x9f: {  	[tilespmem:s4+$0x5080] =	vst.add.f32.msk $0xffff, v4  }
0xa0: {  	[tilespmem:s4+$0x5100] =	vst.add.f32.msk $0xffff, v4  }
0xa1: {  	[tilespmem:s4+$0x5180] =	vst.add.f32.msk $0xffff, v4  }
0xa2: {  	[tilespmem:s4+$0x5200] =	vst.add.f32.msk $0xffff, v4  }
0xa3: {  	[tilespmem:s4+$0x5280] =	vst.add.f32.msk $0xffff, v4  }
0xa4: {  	[tilespmem:s4+$0x5300] =	vst.add.f32.msk $0xffff, v4  }
0xa5: {  	s24 =	simm.s32 $0x0;
	s4 =	rddreg [dreg:$0x5]  }
0xa6: {  	[hbm4b:s4+s24] =	stream.linear.scatter [tilespmem:s15], [sflag:$0x3], $0x4000, $0x38;
	[tilespmem:$0x11000] =	vst v63  }
0xa7: {  	_ =	swait.ge [sflag:s22], $0x8000  }
0xa8: {  	[sflag:s22] =	ssyncset.done $0x0  }
0xa9: {  	[sflag:s22] =	ssyncadd.s32 $0xFFFF8000  }
0xaa: {  	_ =	swait.ge [sflag:s1], $0x8000  }
0xab: {  	[sflag:s1] =	ssyncset.done $0x0  }
0xac: {  	s13 =	rddreg [dreg:$0x6];
	[sflag:s1] =	ssyncadd.s32 $0xFFFF8000  }
0xad: {  	v3 =	vld [tilespmem:s13+$0x0];
	_ =	sdelay $0x4  }
0xae: {  	v4 =	vshll.u32 v3, $0x4  }
0xaf: {  	v3 =	vand.u32 $0x7, v3;
	v4 =	vand.u32 $0xFFFFFF80, v4  }
0xb0: {  	v3 =	vor.u32 v3, v4  }
0xb1: {  	v4 =	vperm.xlane v3, v0;
	_ =	sdelay $0x1  }
0xb2: {  	v4 =	vadd.s32 v1, v4;
	_ =	sdelay $0x4  }
0xb3: {  	[tilespmem:s26], [sflag:$0x1] =	stream.indirect_vreg.gather [hbm4b:s2+s24], $0x80, v4, vm0, $0xb8;
	[tilespmem:$0x11000] =	vst v63  }
0xb4: {  	s17 =	simm.s32 $0x1800  }
0xb5: {  	[tilespmem:s17], [sflag:$0x1] =	stream.indirect_vreg.gather [hbm4b:s6+s24], $0x80, v4, vm0, $0xb8;
	[tilespmem:$0x11000] =	vst v63  }
0xb6: {  	s19 =	simm.s32 $0x2000  }
0xb7: {  	[tilespmem:s19], [sflag:$0x1] =	stream.indirect_vreg.gather [hbm4b:s7+s24], $0x80, v4, vm0, $0xb8;
	[tilespmem:$0x11000] =	vst v63  }
0xb8: {  	s20 =	simm.s32 $0x2800  }
0xb9: {  	[tilespmem:s20], [sflag:$0x1] =	stream.indirect_vreg.gather [hbm4b:s8+s24], $0x80, v4, vm0, $0xb8;
	[tilespmem:$0x11000] =	vst v63  }
0xba: {  	s31 =	simm.s32 $0x3000  }
0xbb: {  	[tilespmem:s31], [sflag:$0x1] =	stream.indirect_vreg.gather [hbm4b:s9+s24], $0x80, v4, vm0, $0xb8;
	[tilespmem:$0x11000] =	vst v63  }
0xbc: {  	s13 =	simm.s32 $0x3800;
	v3 =	vperm.xlane v3, v2  }
0xbd: {  	[tilespmem:s13], [sflag:$0x1] =	stream.indirect_vreg.gather [hbm4b:s10+s24], $0x80, v4, vm0, $0xb8;
	[tilespmem:$0x11000] =	vst v63  }
0xbe: {  	v3 =	vadd.s32 v1, v3;
	s17 =	simm.s32 $0x4000  }
0xbf: {  	[tilespmem:s17], [sflag:$0x1] =	stream.indirect_vreg.gather [hbm4b:s11+s24], $0x80, v4, vm0, $0xb8;
	[tilespmem:$0x11000] =	vst v63  }
0xc0: {  	s19 =	simm.s32 $0x4800  }
0xc1: {  	[tilespmem:s19], [sflag:$0x1] =	stream.indirect_vreg.gather [hbm4b:s12+s24], $0x80, v4, vm0, $0xb8;
	[tilespmem:$0x11000] =	vst v63  }
0xc2: {  	_ = 	snop  }
0xc3: {  	[tilespmem:s15], [sflag:$0x1] =	stream.indirect_vreg.gather [hbm4b:s2+s24], $0x80, v3, vm0, $0xb8;
	[tilespmem:$0x11000] =	vst v63  }
0xc4: {  	s20 =	simm.s32 $0x5800  }
0xc5: {  	[tilespmem:s20], [sflag:$0x1] =	stream.indirect_vreg.gather [hbm4b:s6+s24], $0x80, v3, vm0, $0xb8;
	[tilespmem:$0x11000] =	vst v63  }
0xc6: {  	s31 =	simm.s32 $0x6000  }
0xc7: {  	[tilespmem:s31], [sflag:$0x1] =	stream.indirect_vreg.gather [hbm4b:s7+s24], $0x80, v3, vm0, $0xb8;
	[tilespmem:$0x11000] =	vst v63  }
0xc8: {  	s13 =	simm.s32 $0x6800  }
0xc9: {  	[tilespmem:s13], [sflag:$0x1] =	stream.indirect_vreg.gather [hbm4b:s8+s24], $0x80, v3, vm0, $0xb8;
	[tilespmem:$0x11000] =	vst v63  }
0xca: {  	s17 =	simm.s32 $0x7000  }
0xcb: {  	[tilespmem:s17], [sflag:$0x1] =	stream.indirect_vreg.gather [hbm4b:s9+s24], $0x80, v3, vm0, $0xb8;
	[tilespmem:$0x11000] =	vst v63  }
0xcc: {  	s19 =	simm.s32 $0x7800  }
0xcd: {  	[tilespmem:s19], [sflag:$0x1] =	stream.indirect_vreg.gather [hbm4b:s10+s24], $0x80, v3, vm0, $0xb8;
	[tilespmem:$0x11000] =	vst v63  }
0xce: {  	s20 =	simm.s32 $0x8000  }
0xcf: {  	[tilespmem:s20], [sflag:$0x1] =	stream.indirect_vreg.gather [hbm4b:s11+s24], $0x80, v3, vm0, $0xb8;
	[tilespmem:$0x11000] =	vst v63  }
0xd0: {  	s31 =	simm.s32 $0x8800;
	s13 =	simm.s32 $0x800  }
0xd1: {  	[tilespmem:s31], [sflag:$0x1] =	stream.indirect_vreg.gather [hbm4b:s12+s24], $0x80, v3, vm0, $0xb8;
	[tilespmem:$0x11000] =	vst v63  }
0xd2: {  	v3 =	vld [tilespmem:s13+$0x0];
	_ =	sdelay $0x2  }
0xd3: {  	s17 =	sand.u32 $0x70, s24;
	s19 =	sand.u32 $0x3C00, s24  }
0xd4: {  	s17 =	sor.u32 s17, s19;
	s20 =	sand.u32 $0x7, s24  }
0xd5: {  	s30 =	simm.s32 $0x810;
	s31 =	sshll.u32 s20, $0x4;
	[tilespmem:s17+$0x9280] =	vst.add.f32.msk $0xffff, v3  }
0xd6: {  	s19 =	simm.s32 $0x10;
	s20 =	simm.s32 $0x0;
	s28 =	sadd.s32 $0x0, s31;
	[tilespmem:s17+$0x9300] =	vst.add.f32.msk $0xffff, v3  }
.LBB2_8:
0xd7: {  	v4 =	vld [tilespmem:s30+$0x0];
	p0 =	sne.s32 s19, $0x7F0;
	s24 =	sadd.s32 $0x80, s24;
	s20 =	sadd.s32 $0x1, s20  }
0xd8: {  	s13 =	smov.u32 s19;
	s19 =	sadd.s32 $0x10, s19;
	s4 =	sand.u32 $0x7, s20;
	[tilespmem:s17+$0x9000] =	vst.add.f32.msk $0xffff, v3  }
0xd9: {  	s4 =	sshll.u32 s4, $0x4;
	[tilespmem:s17+$0x9080] =	vst.add.f32.msk $0xffff, v3  }
0xda: {  	s4 =	sadd.s32 s4, s24;
	[tilespmem:s17+$0x9100] =	vst.add.f32.msk $0xffff, v3  }
.Ltmp3:
0xdb: {  	s31 =	sor.u32 $0x380, s28;
	[tilespmem:s17+$0x9180] =	vst.add.f32.msk $0xffff, v3;
	s28 =	smov.u32 s4;
	(pc) =	sbr.rel @p0 .LBB2_8-.Ltmp3, $4  }
0xdc: {  	s4 =	sand.u32 $0x70, s13;
	s13 =	sand.u32 $0x3C00, s24;
	[tilespmem:s17+$0x9200] =	vst.add.f32.msk $0xffff, v3  }
0xdd: {  	s17 =	sor.u32 s4, s13;
	[tilespmem:s31+$0x9000] =	vst.add.f32.msk $0xffff, v3;
	v3 =	vmov v4  }
0xde: {  	[tilespmem:s17+$0x9280] =	vst.add.f32.msk $0xffff, v3  }
0xdf: {  	s30 =	sadd.s32 $0x10, s30;
	[tilespmem:s17+$0x9300] =	vst.add.f32.msk $0xffff, v3  }
0xe0: {  	[tilespmem:s17+$0x9000] =	vst.add.f32.msk $0xffff, v3  }
0xe1: {  	[tilespmem:s17+$0x9080] =	vst.add.f32.msk $0xffff, v3  }
0xe2: {  	[tilespmem:s17+$0x9100] =	vst.add.f32.msk $0xffff, v3  }
0xe3: {  	[tilespmem:s17+$0x9180] =	vst.add.f32.msk $0xffff, v3  }
0xe4: {  	s4 =	sor.u32 $0x380, s28;
	[tilespmem:s17+$0x9200] =	vst.add.f32.msk $0xffff, v3  }
0xe5: {  	[tilespmem:s4+$0x9000] =	vst.add.f32.msk $0xffff, v3  }
0xe6: {  	s17 =	simm.s32 $0x0;
	s30 =	simm.s32 $0x800;
	s4 =	rddreg [dreg:$0x7]  }
0xe7: {  	[hbm4b:s4+s17] =	stream.linear.scatter [tilespmem:s21], [sflag:$0x4], $0x4000, $0x38;
	[tilespmem:$0x11000] =	vst v63  }
0xe8: {  	v3 =	vld [tilespmem:s30+$0x0];
	_ =	sdelay $0x2  }
0xe9: {  	s20 =	simm.s32 $0x810;
	s31 =	sand.u32 $0x70, s17;
	s13 =	sand.u32 $0x3C00, s17  }
0xea: {  	s24 =	sor.u32 s31, s13;
	v4 =	vld [tilespmem:s20+$0x0]  }
0xeb: {  	[tilespmem:s24+$0xD380] =	vst.add.f32.msk $0xffff, v3  }
0xec: {  	[tilespmem:s24+$0xD000] =	vst.add.f32.msk $0xffff, v3  }
0xed: {  	[tilespmem:s24+$0xD080] =	vst.add.f32.msk $0xffff, v3  }
0xee: {  	s19 =	simm.s32 $0x10;
	s28 =	simm.s32 $0x20;
	[tilespmem:s24+$0xD100] =	vst.add.f32.msk $0xffff, v3  }
.LBB2_10:
0xef: {  	p0 =	sne.s32 s28, $0x7F0;
	[tilespmem:s24+$0xD180] =	vst.add.f32.msk $0xffff, v3  }
0xf0: {  	s17 =	sadd.s32 $0x80, s17;
	[tilespmem:s24+$0xD200] =	vst.add.f32.msk $0xffff, v3  }
0xf1: {  	s4 =	sand.u32 $0x70, s19;
	s19 =	smov.u32 s28;
	s13 =	sand.u32 $0x3C00, s17;
	[tilespmem:s24+$0xD280] =	vst.add.f32.msk $0xffff, v3  }
0xf2: {  	[tilespmem:s24+$0xD300] =	vst.add.f32.msk $0xffff, v3;
	s24 =	sor.u32 s4, s13  }
.Ltmp4:
0xf3: {  	[tilespmem:s24+$0xD380] =	vst.add.f32.msk $0xffff, v4;
	v3 =	vmov v4;
	(pc) =	sbr.rel @p0 .LBB2_10-.Ltmp4, $4  }
0xf4: {  	[tilespmem:s24+$0xD000] =	vst.add.f32.msk $0xffff, v3  }
0xf5: {  	[tilespmem:s24+$0xD080] =	vst.add.f32.msk $0xffff, v3  }
0xf6: {  	s20 =	sadd.s32 $0x10, s20;
	[tilespmem:s24+$0xD100] =	vst.add.f32.msk $0xffff, v3  }
0xf7: {  	s28 =	sadd.s32 $0x10, s28;
	v4 =	vld [tilespmem:s20+$0x0]  }
0xf8: {  	[tilespmem:s24+$0xD180] =	vst.add.f32.msk $0xffff, v3  }
0xf9: {  	[tilespmem:s24+$0xD200] =	vst.add.f32.msk $0xffff, v3;
	s4 =	sadd.s32 $0x80, s17  }
0xfa: {  	s13 =	sand.u32 $0x70, s19;
	[tilespmem:s24+$0xD280] =	vst.add.f32.msk $0xffff, v3;
	s4 =	sand.u32 $0x3C00, s4  }
0xfb: {  	[tilespmem:s24+$0xD300] =	vst.add.f32.msk $0xffff, v3;
	s4 =	sor.u32 s13, s4  }
0xfc: {  	[tilespmem:s4+$0xD380] =	vst.add.f32.msk $0xffff, v4  }
0xfd: {  	[tilespmem:s4+$0xD000] =	vst.add.f32.msk $0xffff, v4  }
0xfe: {  	[tilespmem:s4+$0xD080] =	vst.add.f32.msk $0xffff, v4  }
0xff: {  	[tilespmem:s4+$0xD100] =	vst.add.f32.msk $0xffff, v4  }
0x100: {  	[tilespmem:s4+$0xD180] =	vst.add.f32.msk $0xffff, v4  }
0x101: {  	[tilespmem:s4+$0xD200] =	vst.add.f32.msk $0xffff, v4  }
0x102: {  	[tilespmem:s4+$0xD280] =	vst.add.f32.msk $0xffff, v4  }
0x103: {  	[tilespmem:s4+$0xD300] =	vst.add.f32.msk $0xffff, v4  }
0x104: {  	s24 =	simm.s32 $0x0;
	s4 =	rddreg [dreg:$0x9]  }
0x105: {  	[hbm4b:s4+s24] =	stream.linear.scatter [tilespmem:s29], [sflag:$0x4], $0x4000, $0x38;
	[tilespmem:$0x11000] =	vst v63  }
0x106: {  	_ =	swait.ge [sflag:s0], $0x8000  }
0x107: {  	[sflag:s0] =	ssyncset.done $0x0  }
0x108: {  	[sflag:s0] =	ssyncadd.s32 $0xFFFF8000  }
0x109: {  	_ =	swait.ge [sflag:s23], $0x8000  }
0x10a: {  	[sflag:s23] =	ssyncset.done $0x0  }
0x10b: {  	s17 =	rddreg [dreg:$0x8];
	[sflag:s23] =	ssyncadd.s32 $0xFFFF8000  }
0x10c: {  	v3 =	vld [tilespmem:s17+$0x0];
	_ =	sdelay $0x4  }
0x10d: {  	v4 =	vshll.u32 v3, $0x4  }
0x10e: {  	v3 =	vand.u32 $0x7, v3;
	v4 =	vand.u32 $0xFFFFFF80, v4  }
0x10f: {  	v3 =	vor.u32 v3, v4  }
0x110: {  	v4 =	vperm.xlane v3, v0;
	_ =	sdelay $0x1  }
0x111: {  	v4 =	vadd.s32 v1, v4;
	_ =	sdelay $0x4  }
0x112: {  	[tilespmem:s21], [sflag:$0x2] =	stream.indirect_vreg.gather [hbm4b:s2+s24], $0x80, v4, vm0, $0xb8;
	[tilespmem:$0x11000] =	vst v63  }
0x113: {  	s19 =	simm.s32 $0x9800  }
0x114: {  	[tilespmem:s19], [sflag:$0x2] =	stream.indirect_vreg.gather [hbm4b:s6+s24], $0x80, v4, vm0, $0xb8;
	[tilespmem:$0x11000] =	vst v63  }
0x115: {  	s20 =	simm.s32 $0xA000  }
0x116: {  	[tilespmem:s20], [sflag:$0x2] =	stream.indirect_vreg.gather [hbm4b:s7+s24], $0x80, v4, vm0, $0xb8;
	[tilespmem:$0x11000] =	vst v63  }
0x117: {  	s31 =	simm.s32 $0xA800  }
0x118: {  	[tilespmem:s31], [sflag:$0x2] =	stream.indirect_vreg.gather [hbm4b:s8+s24], $0x80, v4, vm0, $0xb8;
	[tilespmem:$0x11000] =	vst v63  }
0x119: {  	s13 =	simm.s32 $0xB000  }
0x11a: {  	[tilespmem:s13], [sflag:$0x2] =	stream.indirect_vreg.gather [hbm4b:s9+s24], $0x80, v4, vm0, $0xb8;
	[tilespmem:$0x11000] =	vst v63  }
0x11b: {  	s17 =	simm.s32 $0xB800;
	v3 =	vperm.xlane v3, v2  }
0x11c: {  	[tilespmem:s17], [sflag:$0x2] =	stream.indirect_vreg.gather [hbm4b:s10+s24], $0x80, v4, vm0, $0xb8;
	[tilespmem:$0x11000] =	vst v63  }
0x11d: {  	v3 =	vadd.s32 v1, v3;
	s19 =	simm.s32 $0xC000  }
0x11e: {  	[tilespmem:s19], [sflag:$0x2] =	stream.indirect_vreg.gather [hbm4b:s11+s24], $0x80, v4, vm0, $0xb8;
	[tilespmem:$0x11000] =	vst v63  }
0x11f: {  	s20 =	simm.s32 $0xC800  }
0x120: {  	[tilespmem:s20], [sflag:$0x2] =	stream.indirect_vreg.gather [hbm4b:s12+s24], $0x80, v4, vm0, $0xb8;
	[tilespmem:$0x11000] =	vst v63  }
0x121: {  	_ = 	snop  }
0x122: {  	[tilespmem:s29], [sflag:$0x2] =	stream.indirect_vreg.gather [hbm4b:s2+s24], $0x80, v3, vm0, $0xb8;
	[tilespmem:$0x11000] =	vst v63  }
0x123: {  	s31 =	simm.s32 $0xD800  }
0x124: {  	[tilespmem:s31], [sflag:$0x2] =	stream.indirect_vreg.gather [hbm4b:s6+s24], $0x80, v3, vm0, $0xb8;
	[tilespmem:$0x11000] =	vst v63  }
0x125: {  	s13 =	simm.s32 $0xE000  }
0x126: {  	[tilespmem:s13], [sflag:$0x2] =	stream.indirect_vreg.gather [hbm4b:s7+s24], $0x80, v3, vm0, $0xb8;
	[tilespmem:$0x11000] =	vst v63  }
0x127: {  	s17 =	simm.s32 $0xE800  }
0x128: {  	[tilespmem:s17], [sflag:$0x2] =	stream.indirect_vreg.gather [hbm4b:s8+s24], $0x80, v3, vm0, $0xb8;
	[tilespmem:$0x11000] =	vst v63  }
0x129: {  	s19 =	simm.s32 $0xF000  }
0x12a: {  	[tilespmem:s19], [sflag:$0x2] =	stream.indirect_vreg.gather [hbm4b:s9+s24], $0x80, v3, vm0, $0xb8;
	[tilespmem:$0x11000] =	vst v63  }
0x12b: {  	s20 =	simm.s32 $0xF800  }
0x12c: {  	[tilespmem:s20], [sflag:$0x2] =	stream.indirect_vreg.gather [hbm4b:s10+s24], $0x80, v3, vm0, $0xb8;
	[tilespmem:$0x11000] =	vst v63  }
0x12d: {  	s31 =	simm.s32 $0x10000  }
0x12e: {  	[tilespmem:s31], [sflag:$0x2] =	stream.indirect_vreg.gather [hbm4b:s11+s24], $0x80, v3, vm0, $0xb8;
	[tilespmem:$0x11000] =	vst v63  }
0x12f: {  	s13 =	simm.s32 $0x800  }
0x130: {  	[tilespmem:s16], [sflag:$0x2] =	stream.indirect_vreg.gather [hbm4b:s12+s24], $0x80, v3, vm0, $0xb8;
	[tilespmem:$0x11000] =	vst v63  }
0x131: {  	v3 =	vld [tilespmem:s13+$0x0];
	_ =	sdelay $0x2  }
0x132: {  	s17 =	sand.u32 $0x70, s24;
	s19 =	sand.u32 $0x3C00, s24  }
0x133: {  	s17 =	sor.u32 s17, s19;
	s20 =	sand.u32 $0x7, s24  }
0x134: {  	s30 =	simm.s32 $0x810;
	s31 =	sshll.u32 s20, $0x4;
	[tilespmem:s17+$0x1280] =	vst.add.f32.msk $0xffff, v3  }
0x135: {  	s19 =	simm.s32 $0x10;
	s20 =	simm.s32 $0x0;
	s28 =	sadd.s32 $0x0, s31;
	[tilespmem:s17+$0x1300] =	vst.add.f32.msk $0xffff, v3  }
.LBB2_12:
0x136: {  	v4 =	vld [tilespmem:s30+$0x0];
	p0 =	sne.s32 s19, $0x7F0;
	s24 =	sadd.s32 $0x80, s24;
	s20 =	sadd.s32 $0x1, s20  }
0x137: {  	s13 =	smov.u32 s19;
	s19 =	sadd.s32 $0x10, s19;
	s4 =	sand.u32 $0x7, s20;
	[tilespmem:s17+$0x1000] =	vst.add.f32.msk $0xffff, v3  }
0x138: {  	s4 =	sshll.u32 s4, $0x4;
	[tilespmem:s17+$0x1080] =	vst.add.f32.msk $0xffff, v3  }
0x139: {  	s4 =	sadd.s32 s4, s24;
	[tilespmem:s17+$0x1100] =	vst.add.f32.msk $0xffff, v3  }
.Ltmp5:
0x13a: {  	s31 =	sor.u32 $0x380, s28;
	[tilespmem:s17+$0x1180] =	vst.add.f32.msk $0xffff, v3;
	s28 =	smov.u32 s4;
	(pc) =	sbr.rel @p0 .LBB2_12-.Ltmp5, $4  }
0x13b: {  	s4 =	sand.u32 $0x70, s13;
	s13 =	sand.u32 $0x3C00, s24;
	[tilespmem:s17+$0x1200] =	vst.add.f32.msk $0xffff, v3  }
0x13c: {  	s17 =	sor.u32 s4, s13;
	[tilespmem:s31+$0x1000] =	vst.add.f32.msk $0xffff, v3;
	v3 =	vmov v4  }
0x13d: {  	[tilespmem:s17+$0x1280] =	vst.add.f32.msk $0xffff, v3  }
0x13e: {  	s30 =	sadd.s32 $0x10, s30;
	[tilespmem:s17+$0x1300] =	vst.add.f32.msk $0xffff, v3  }
0x13f: {  	[tilespmem:s17+$0x1000] =	vst.add.f32.msk $0xffff, v3  }
0x140: {  	[tilespmem:s17+$0x1080] =	vst.add.f32.msk $0xffff, v3  }
0x141: {  	[tilespmem:s17+$0x1100] =	vst.add.f32.msk $0xffff, v3  }
0x142: {  	[tilespmem:s17+$0x1180] =	vst.add.f32.msk $0xffff, v3  }
0x143: {  	s4 =	sor.u32 $0x380, s28;
	[tilespmem:s17+$0x1200] =	vst.add.f32.msk $0xffff, v3  }
0x144: {  	[tilespmem:s4+$0x1000] =	vst.add.f32.msk $0xffff, v3  }
0x145: {  	s17 =	simm.s32 $0x0;
	s30 =	simm.s32 $0x800;
	s4 =	rddreg [dreg:$0xa]  }
0x146: {  	[hbm4b:s4+s17] =	stream.linear.scatter [tilespmem:s26], [sflag:$0x3], $0x4000, $0x38;
	[tilespmem:$0x11000] =	vst v63  }
0x147: {  	v3 =	vld [tilespmem:s30+$0x0];
	_ =	sdelay $0x2  }
0x148: {  	s20 =	simm.s32 $0x810;
	s31 =	sand.u32 $0x70, s17;
	s13 =	sand.u32 $0x3C00, s17  }
0x149: {  	s24 =	sor.u32 s31, s13;
	v4 =	vld [tilespmem:s20+$0x0]  }
0x14a: {  	[tilespmem:s24+$0x5380] =	vst.add.f32.msk $0xffff, v3  }
0x14b: {  	[tilespmem:s24+$0x5000] =	vst.add.f32.msk $0xffff, v3  }
0x14c: {  	[tilespmem:s24+$0x5080] =	vst.add.f32.msk $0xffff, v3  }
0x14d: {  	s19 =	simm.s32 $0x10;
	s28 =	simm.s32 $0x20;
	[tilespmem:s24+$0x5100] =	vst.add.f32.msk $0xffff, v3  }
.LBB2_14:
0x14e: {  	p0 =	sne.s32 s28, $0x7F0;
	[tilespmem:s24+$0x5180] =	vst.add.f32.msk $0xffff, v3  }
0x14f: {  	s17 =	sadd.s32 $0x80, s17;
	[tilespmem:s24+$0x5200] =	vst.add.f32.msk $0xffff, v3  }
0x150: {  	s4 =	sand.u32 $0x70, s19;
	s19 =	smov.u32 s28;
	s13 =	sand.u32 $0x3C00, s17;
	[tilespmem:s24+$0x5280] =	vst.add.f32.msk $0xffff, v3  }
0x151: {  	[tilespmem:s24+$0x5300] =	vst.add.f32.msk $0xffff, v3;
	s24 =	sor.u32 s4, s13  }
.Ltmp6:
0x152: {  	[tilespmem:s24+$0x5380] =	vst.add.f32.msk $0xffff, v4;
	v3 =	vmov v4;
	(pc) =	sbr.rel @p0 .LBB2_14-.Ltmp6, $4  }
0x153: {  	[tilespmem:s24+$0x5000] =	vst.add.f32.msk $0xffff, v3  }
0x154: {  	[tilespmem:s24+$0x5080] =	vst.add.f32.msk $0xffff, v3  }
0x155: {  	s20 =	sadd.s32 $0x10, s20;
	[tilespmem:s24+$0x5100] =	vst.add.f32.msk $0xffff, v3  }
0x156: {  	s28 =	sadd.s32 $0x10, s28;
	v4 =	vld [tilespmem:s20+$0x0]  }
0x157: {  	[tilespmem:s24+$0x5180] =	vst.add.f32.msk $0xffff, v3  }
0x158: {  	[tilespmem:s24+$0x5200] =	vst.add.f32.msk $0xffff, v3;
	s4 =	sadd.s32 $0x80, s17  }
0x159: {  	s13 =	sand.u32 $0x70, s19;
	[tilespmem:s24+$0x5280] =	vst.add.f32.msk $0xffff, v3;
	s4 =	sand.u32 $0x3C00, s4  }
0x15a: {  	[tilespmem:s24+$0x5300] =	vst.add.f32.msk $0xffff, v3;
	s4 =	sor.u32 s13, s4  }
0x15b: {  	[tilespmem:s4+$0x5380] =	vst.add.f32.msk $0xffff, v4  }
0x15c: {  	[tilespmem:s4+$0x5000] =	vst.add.f32.msk $0xffff, v4  }
0x15d: {  	[tilespmem:s4+$0x5080] =	vst.add.f32.msk $0xffff, v4  }
0x15e: {  	[tilespmem:s4+$0x5100] =	vst.add.f32.msk $0xffff, v4  }
0x15f: {  	[tilespmem:s4+$0x5180] =	vst.add.f32.msk $0xffff, v4  }
0x160: {  	[tilespmem:s4+$0x5200] =	vst.add.f32.msk $0xffff, v4  }
0x161: {  	[tilespmem:s4+$0x5280] =	vst.add.f32.msk $0xffff, v4  }
0x162: {  	[tilespmem:s4+$0x5300] =	vst.add.f32.msk $0xffff, v4  }
0x163: {  	s24 =	simm.s32 $0x0;
	s4 =	rddreg [dreg:$0xb]  }
0x164: {  	[hbm4b:s4+s24] =	stream.linear.scatter [tilespmem:s15], [sflag:$0x3], $0x4000, $0x38;
	[tilespmem:$0x11000] =	vst v63  }
0x165: {  	_ =	swait.ge [sflag:s22], $0x8000  }
0x166: {  	[sflag:s22] =	ssyncset.done $0x0  }
0x167: {  	s13 =	simm.s32 $0x800;
	[sflag:s22] =	ssyncadd.s32 $0xFFFF8000  }
0x168: {  	v3 =	vld [tilespmem:s13+$0x0];
	_ =	sdelay $0x2  }
0x169: {  	s17 =	sand.u32 $0x70, s24;
	s19 =	sand.u32 $0x3C00, s24  }
0x16a: {  	s20 =	sand.u32 $0x7, s24;
	s17 =	sor.u32 s17, s19  }
0x16b: {  	s30 =	simm.s32 $0x810;
	s31 =	sshll.u32 s20, $0x4;
	[tilespmem:s17+$0x9280] =	vst.add.f32.msk $0xffff, v3  }
0x16c: {  	s19 =	simm.s32 $0x10;
	s20 =	simm.s32 $0x0;
	s28 =	sadd.s32 $0x0, s31;
	[tilespmem:s17+$0x9300] =	vst.add.f32.msk $0xffff, v3  }
.LBB2_16:
0x16d: {  	v4 =	vld [tilespmem:s30+$0x0];
	p0 =	sne.s32 s19, $0x7F0;
	s24 =	sadd.s32 $0x80, s24;
	s20 =	sadd.s32 $0x1, s20  }
0x16e: {  	s13 =	smov.u32 s19;
	s19 =	sadd.s32 $0x10, s19;
	s4 =	sand.u32 $0x7, s20;
	[tilespmem:s17+$0x9000] =	vst.add.f32.msk $0xffff, v3  }
0x16f: {  	s4 =	sshll.u32 s4, $0x4;
	[tilespmem:s17+$0x9080] =	vst.add.f32.msk $0xffff, v3  }
0x170: {  	s4 =	sadd.s32 s4, s24;
	[tilespmem:s17+$0x9100] =	vst.add.f32.msk $0xffff, v3  }
.Ltmp7:
0x171: {  	s31 =	sor.u32 $0x380, s28;
	[tilespmem:s17+$0x9180] =	vst.add.f32.msk $0xffff, v3;
	s28 =	smov.u32 s4;
	(pc) =	sbr.rel @p0 .LBB2_16-.Ltmp7, $4  }
0x172: {  	s4 =	sand.u32 $0x70, s13;
	s13 =	sand.u32 $0x3C00, s24;
	[tilespmem:s17+$0x9200] =	vst.add.f32.msk $0xffff, v3  }
0x173: {  	s17 =	sor.u32 s4, s13;
	[tilespmem:s31+$0x9000] =	vst.add.f32.msk $0xffff, v3;
	v3 =	vmov v4  }
0x174: {  	[tilespmem:s17+$0x9280] =	vst.add.f32.msk $0xffff, v3  }
0x175: {  	s30 =	sadd.s32 $0x10, s30;
	[tilespmem:s17+$0x9300] =	vst.add.f32.msk $0xffff, v3  }
0x176: {  	[tilespmem:s17+$0x9000] =	vst.add.f32.msk $0xffff, v3  }
0x177: {  	[tilespmem:s17+$0x9080] =	vst.add.f32.msk $0xffff, v3  }
0x178: {  	[tilespmem:s17+$0x9100] =	vst.add.f32.msk $0xffff, v3  }
0x179: {  	[tilespmem:s17+$0x9180] =	vst.add.f32.msk $0xffff, v3  }
0x17a: {  	s4 =	sor.u32 $0x380, s28;
	[tilespmem:s17+$0x9200] =	vst.add.f32.msk $0xffff, v3  }
0x17b: {  	[tilespmem:s4+$0x9000] =	vst.add.f32.msk $0xffff, v3  }
0x17c: {  	s17 =	simm.s32 $0x0;
	s30 =	simm.s32 $0x800;
	s4 =	rddreg [dreg:$0xc]  }
0x17d: {  	[hbm4b:s4+s17] =	stream.linear.scatter [tilespmem:s21], [sflag:$0x4], $0x4000, $0x38;
	[tilespmem:$0x11000] =	vst v63  }
0x17e: {  	v3 =	vld [tilespmem:s30+$0x0];
	_ =	sdelay $0x2  }
0x17f: {  	s20 =	simm.s32 $0x810;
	s31 =	sand.u32 $0x70, s17;
	s13 =	sand.u32 $0x3C00, s17  }
0x180: {  	s24 =	sor.u32 s31, s13;
	v4 =	vld [tilespmem:s20+$0x0]  }
0x181: {  	[tilespmem:s24+$0xD380] =	vst.add.f32.msk $0xffff, v3  }
0x182: {  	[tilespmem:s24+$0xD000] =	vst.add.f32.msk $0xffff, v3  }
0x183: {  	[tilespmem:s24+$0xD080] =	vst.add.f32.msk $0xffff, v3  }
0x184: {  	s19 =	simm.s32 $0x10;
	s28 =	simm.s32 $0x20;
	[tilespmem:s24+$0xD100] =	vst.add.f32.msk $0xffff, v3  }
.LBB2_18:
0x185: {  	p0 =	sne.s32 s28, $0x7F0;
	[tilespmem:s24+$0xD180] =	vst.add.f32.msk $0xffff, v3  }
0x186: {  	s17 =	sadd.s32 $0x80, s17;
	[tilespmem:s24+$0xD200] =	vst.add.f32.msk $0xffff, v3  }
0x187: {  	s4 =	sand.u32 $0x70, s19;
	s19 =	smov.u32 s28;
	s13 =	sand.u32 $0x3C00, s17;
	[tilespmem:s24+$0xD280] =	vst.add.f32.msk $0xffff, v3  }
0x188: {  	[tilespmem:s24+$0xD300] =	vst.add.f32.msk $0xffff, v3;
	s24 =	sor.u32 s4, s13  }
.Ltmp8:
0x189: {  	[tilespmem:s24+$0xD380] =	vst.add.f32.msk $0xffff, v4;
	v3 =	vmov v4;
	(pc) =	sbr.rel @p0 .LBB2_18-.Ltmp8, $4  }
0x18a: {  	[tilespmem:s24+$0xD000] =	vst.add.f32.msk $0xffff, v3  }
0x18b: {  	[tilespmem:s24+$0xD080] =	vst.add.f32.msk $0xffff, v3  }
0x18c: {  	s20 =	sadd.s32 $0x10, s20;
	[tilespmem:s24+$0xD100] =	vst.add.f32.msk $0xffff, v3  }
0x18d: {  	s28 =	sadd.s32 $0x10, s28;
	v4 =	vld [tilespmem:s20+$0x0]  }
0x18e: {  	[tilespmem:s24+$0xD180] =	vst.add.f32.msk $0xffff, v3  }
0x18f: {  	[tilespmem:s24+$0xD200] =	vst.add.f32.msk $0xffff, v3;
	s4 =	sadd.s32 $0x80, s17  }
0x190: {  	s13 =	sand.u32 $0x70, s19;
	[tilespmem:s24+$0xD280] =	vst.add.f32.msk $0xffff, v3;
	s4 =	sand.u32 $0x3C00, s4  }
0x191: {  	[tilespmem:s24+$0xD300] =	vst.add.f32.msk $0xffff, v3;
	s4 =	sor.u32 s13, s4  }
0x192: {  	[tilespmem:s4+$0xD380] =	vst.add.f32.msk $0xffff, v4  }
0x193: {  	[tilespmem:s4+$0xD000] =	vst.add.f32.msk $0xffff, v4  }
0x194: {  	[tilespmem:s4+$0xD080] =	vst.add.f32.msk $0xffff, v4  }
0x195: {  	[tilespmem:s4+$0xD100] =	vst.add.f32.msk $0xffff, v4  }
0x196: {  	[tilespmem:s4+$0xD180] =	vst.add.f32.msk $0xffff, v4  }
0x197: {  	[tilespmem:s4+$0xD200] =	vst.add.f32.msk $0xffff, v4  }
0x198: {  	[tilespmem:s4+$0xD280] =	vst.add.f32.msk $0xffff, v4  }
0x199: {  	[tilespmem:s4+$0xD300] =	vst.add.f32.msk $0xffff, v4  }
0x19a: {  	s4 =	rddreg [dreg:$0xd]  }
0x19b: {  	[hbm4b:s4+s3] =	stream.linear.scatter [tilespmem:s29], [sflag:$0x4], $0x4000, $0x38;
	[tilespmem:$0x11000] =	vst v63  }
0x19c: {  	_ =	swait.ge [sflag:s1], $0x8000  }
0x19d: {  	[sflag:s1] =	ssyncset.done $0x0  }
0x19e: {  	[sflag:s1] =	ssyncadd.s32 $0xFFFF8000  }
0x19f: {  	_ =	swait.ge [sflag:s23], $0x8000  }
0x1a0: {  	s18 =	sadd.s32 $0x1, s18;
	s31 =	rddreg [dreg:$0xe]  }
0x1a1: {  	p0 =	sne.s32 s18, s31  }
.Ltmp9:
0x1a2: {  	_ = 	snop;
	(pc) =	sbr.rel @p0 .LBB2_1-.Ltmp9, $3  }
0x1a3: {  	_ =	sdelay $0x1  }
0x1a4: {  	[sflag:s23] =	ssyncset.done $0x0  }
0x1a5: {  	[sflag:s23] =	ssyncadd.s32 $0xFFFF8000  }
0x1a6: {  	_ =	sfence.sel $0x180000  }
0x1a7: {  	[bflag:$0x0] =	sbarrier.arrive $0xFFFF  }
0x1a8: {  	_ =	strace $0x90000047  }
0x1a9: {  	s0 =	stileid.u32;
	[bflag:$0x2] =	sbarrier.arrive $0xFFFF  }
0x1aa: {  	p0 =	sne.s32 s0, $0x0;
	s0 =	rddreg [dreg:$0x3]  }
0x1ab: {  	s0 =	sadd.s32 @!p0 $0x100000, s0  }
0x1ac: {  	[sflag:s0] =	ssyncadd.tile.s32 @!p0 $0x1;
	_ =	shalt  }
.Lfunc_end2:
_tile_overlayer_lowered:
.L_overlay_start_2:
0x1ad: {  	(tag) =	ssettag $0x2  }
0x1ae: {  	s0 =	rddreg [dreg:$0x0];
	s2 =	stileid.u32  }
0x1af: {  	s1 =	rddreg [dreg:$0x1];
	p0 =	sne.s32 s2, $0x0  }
0x1b0: {  	s3 =	rddreg [dreg:$0x2];
	[bflag:$0x3] =	sbarrier.arrive $0xFFFF;
	s2 =	simm.s32 @!p0 $0x1C05  }
0x1b1: {  	[timem:s3], [sflag:s2] =	dma.local @!p0 [hbm:s0], s1  }
0x1b2: {  	s0 =	simm.s32 @!p0 $0x5  }
0x1b3: {  	_ =	swait.ge @!p0 [sflag:s0], s1  }
0x1b4: {  	s1 =	ssub.s32 @!p0 $0x0, s1;
	[sflag:s0] =	ssyncset.done @!p0 $0x0  }
0x1b5: {  	[sflag:s0] =	ssyncadd.s32 @!p0 s1  }
0x1b6: {  	[bflag:$0x3] =	sbarrier.arrive $0xFFFF  }
0x1b7: {  	_ =	shalt  }

</sc_bundles>
